<compile_context>
chip_gen: v7x
topology: tpu7x:2x2x1
jax: 0.10.2.dev20260603
libtpu: 0.0.44.dev20260713+nightly
codegen_flags: <defaults>
</compile_context>

<pallas_src>
import functools

import jax
import jax.numpy as jnp
from jax import lax
from jax.experimental import pallas as pl
from jax.experimental.pallas import tpu as pltpu
from jax.experimental.pallas import tpu_sc as plsc

N = 10000
E = 320000
D = 128

NC = 2
NS = 16
NW = NC * NS
EPT = E // NW
K = 128
KD = 128
NCHD = 80
KS = 80
NCHS = 125
EPAD = 10240
NPAD = 10240
WPT = NPAD // NS
RPT = NPAD // NS

_mesh = plsc.VectorSubcoreMesh(
    core_axis_name="c", subcore_axis_name="s", num_cores=NC, num_subcores=NS)


@functools.partial(
    pl.kernel,
    out_type=jax.ShapeDtypeStruct((NW, WPT), jnp.float32),
    mesh=_mesh,
    scratch_types=dict(
        deg_sh=pltpu.VMEM_SHARED((NPAD,), jnp.float32),
        zbuf=pltpu.VMEM((WPT,), jnp.float32),
        ones_v=pltpu.VMEM((KD,), jnp.float32),
        didx2=pltpu.VMEM((NCHD, KD), jnp.int32),
    ),
)
def _deg_kernel(dst_hbm, out_hbm, deg_sh, zbuf, ones_v, didx2):
    cid = lax.axis_index("c")
    sid = lax.axis_index("s")
    wid = sid * NC + cid

    one = jnp.ones((16,), jnp.float32)
    zero = jnp.zeros((16,), jnp.float32)

    def fill(i, _):
        zbuf[pl.ds(i * 16, 16)] = zero
        ones_v[pl.ds((i % (KD // 16)) * 16, 16)] = one
        return 0

    lax.fori_loop(0, WPT // 16, fill, 0)

    pltpu.sync_copy(dst_hbm.at[wid], didx2)
    pltpu.sync_copy(zbuf, deg_sh.at[pl.ds(sid * WPT, WPT)])
    plsc.subcore_barrier()

    def step(i, _):
        pltpu.sync_copy(ones_v, deg_sh.at[didx2.at[i]], add=True)
        return 0

    lax.fori_loop(0, NCHD, step, 0)
    plsc.subcore_barrier()

    pltpu.sync_copy(deg_sh.at[pl.ds(sid * WPT, WPT)],
                    out_hbm.at[cid * NS + sid])


@functools.partial(
    pl.kernel,
    out_type=jax.ShapeDtypeStruct((NC, NPAD, D), jnp.float32),
    mesh=_mesh,
    scratch_types=dict(
        acc_sh=pltpu.VMEM_SHARED((NPAD, D), jnp.float32),
        rows0=pltpu.VMEM((KS, D), jnp.float32),
        rows1=pltpu.VMEM((KS, D), jnp.float32),
        sidxA=pltpu.VMEM((KS,), jnp.int32),
        didxA=pltpu.VMEM((KS,), jnp.int32),
        sidxB=pltpu.VMEM((KS,), jnp.int32),
        didxB=pltpu.VMEM((KS,), jnp.int32),
        gsem0=pltpu.SemaphoreType.DMA,
        gsem1=pltpu.SemaphoreType.DMA,
        isem=pltpu.SemaphoreType.DMA,
    ),
)
def _scatter_kernel(xs_hbm, src_hbm, dst_hbm, out_hbm,
                    acc_sh, rows0, rows1, sidxA, didxA, sidxB, didxB,
                    gsem0, gsem1, isem):
    cid = lax.axis_index("c")
    sid = lax.axis_index("s")
    wid = sid * NC + cid

    zero = jnp.zeros((16,), jnp.float32)

    def zfill(i, _):
        r = i // 8
        c = i - r * 8
        rows0[r, pl.ds(c * 16, 16)] = zero
        return 0

    lax.fori_loop(0, KS * D // 16, zfill, 0)
    for k in range(RPT // KS):
        pltpu.sync_copy(rows0, acc_sh.at[pl.ds(sid * RPT + k * KS, KS), :])

    pltpu.sync_copy(src_hbm.at[pl.ds(wid * EPT, KS)], sidxA)
    pltpu.sync_copy(dst_hbm.at[pl.ds(wid * EPT, KS)], didxA)
    plsc.subcore_barrier()

    def ifire(j, sbuf, dbuf):
        base = wid * EPT + j * KS
        pltpu.async_copy(src_hbm.at[pl.ds(base, KS)], sbuf, isem)
        pltpu.async_copy(dst_hbm.at[pl.ds(base, KS)], dbuf, isem)

    def iwait(j, sbuf, dbuf):
        base = wid * EPT + j * KS
        pltpu.make_async_copy(src_hbm.at[pl.ds(base, KS)], sbuf, isem).wait()
        pltpu.make_async_copy(dst_hbm.at[pl.ds(base, KS)], dbuf, isem).wait()

    def gfire(sbuf, buf, sem):
        pltpu.async_copy(xs_hbm.at[sbuf], buf, sem)

    def gwait(sbuf, buf, sem):
        pltpu.make_async_copy(xs_hbm.at[sbuf], buf, sem).wait()

    def scat(dbuf, buf):
        pltpu.sync_copy(buf, acc_sh.at[dbuf], add=True)

    gfire(sidxA, rows0, gsem0)
    ifire(1, sidxB, didxB)

    def pair(t, _):
        j = 2 * t
        iwait(j + 1, sidxB, didxB)
        gfire(sidxB, rows1, gsem1)
        gwait(sidxA, rows0, gsem0)
        scat(didxA, rows0)
        ifire(j + 2, sidxA, didxA)
        iwait(j + 2, sidxA, didxA)
        gfire(sidxA, rows0, gsem0)
        gwait(sidxB, rows1, gsem1)
        scat(didxB, rows1)
        jn3 = jnp.minimum(j + 3, NCHS - 1)
        ifire(jn3, sidxB, didxB)
        return 0

    lax.fori_loop(0, NCHS // 2, pair, 0)
    gwait(sidxA, rows0, gsem0)
    scat(didxA, rows0)
    iwait(NCHS - 1, sidxB, didxB)
    plsc.subcore_barrier()

    pltpu.sync_copy(acc_sh.at[pl.ds(sid * RPT, RPT), :],
                    out_hbm.at[cid, pl.ds(sid * RPT, RPT), :])


RB = 400
GRID = N // RB


def _mm1_body(x_ref, w_ref, degA_ref, degB_ref, xs_ref, dis_ref):
    dis = lax.rsqrt(degA_ref[...] + degB_ref[...] + 1.0)
    xs_ref[...] = jnp.dot(x_ref[...], w_ref[...],
                          preferred_element_type=jnp.float32) * dis
    dis_ref[...] = dis


def _mm1(x, W1, degA, degB):
    return pl.pallas_call(
        _mm1_body,
        grid=(GRID,),
        in_specs=[
            pl.BlockSpec((RB, D), lambda i: (i, 0)),
            pl.BlockSpec((D, D), lambda i: (0, 0)),
            pl.BlockSpec((RB, 1), lambda i: (i, 0)),
            pl.BlockSpec((RB, 1), lambda i: (i, 0)),
        ],
        out_specs=[
            pl.BlockSpec((RB, D), lambda i: (i, 0)),
            pl.BlockSpec((RB, 1), lambda i: (i, 0)),
        ],
        out_shape=[
            jax.ShapeDtypeStruct((N, D), jnp.float32),
            jax.ShapeDtypeStruct((N, 1), jnp.float32),
        ],
    )(x, W1, degA, degB)


def _mm2_body(aA_ref, aB_ref, xs_ref, dis_ref, b_ref, w_ref, out_ref):
    dis = dis_ref[...]
    h = (aA_ref[...] + aB_ref[...] + xs_ref[...]) * dis + b_ref[...]
    h = jnp.maximum(h, 0.0)
    out_ref[...] = jnp.dot(h, w_ref[...],
                           preferred_element_type=jnp.float32) * dis


def _mm2(accA, accB, xs, dis, b, W2):
    return pl.pallas_call(
        _mm2_body,
        grid=(GRID,),
        in_specs=[
            pl.BlockSpec((RB, D), lambda i: (i, 0)),
            pl.BlockSpec((RB, D), lambda i: (i, 0)),
            pl.BlockSpec((RB, D), lambda i: (i, 0)),
            pl.BlockSpec((RB, 1), lambda i: (i, 0)),
            pl.BlockSpec((1, D), lambda i: (0, 0)),
            pl.BlockSpec((D, D), lambda i: (0, 0)),
        ],
        out_specs=pl.BlockSpec((RB, D), lambda i: (i, 0)),
        out_shape=jax.ShapeDtypeStruct((N, D), jnp.float32),
    )(accA, accB, xs, dis, b, W2)


def _fin_body(aA_ref, aB_ref, xs_ref, dis_ref, b_ref, out_ref):
    out_ref[...] = ((aA_ref[...] + aB_ref[...] + xs_ref[...]) * dis_ref[...]
                    + b_ref[...])


def _fin(accA, accB, xs, dis, b):
    return pl.pallas_call(
        _fin_body,
        grid=(GRID,),
        in_specs=[
            pl.BlockSpec((RB, D), lambda i: (i, 0)),
            pl.BlockSpec((RB, D), lambda i: (i, 0)),
            pl.BlockSpec((RB, D), lambda i: (i, 0)),
            pl.BlockSpec((RB, 1), lambda i: (i, 0)),
            pl.BlockSpec((1, D), lambda i: (0, 0)),
        ],
        out_specs=pl.BlockSpec((RB, D), lambda i: (i, 0)),
        out_shape=jax.ShapeDtypeStruct((N, D), jnp.float32),
    )(accA, accB, xs, dis, b)


def kernel(x, edge_index, W1, b1, W2, b2):
    srcp = jnp.pad(edge_index[0].reshape(NW, EPT), ((0, 0), (0, EPAD - EPT)))
    dstp = jnp.pad(edge_index[1].reshape(NW, EPT), ((0, 0), (0, EPAD - EPT)),
                   constant_values=N)
    src3 = edge_index[0]
    dst3 = edge_index[1]

    deg_p = _deg_kernel(dstp.reshape(NW, NCHD, KD))
    degA = deg_p[:NS].reshape(NPAD)[:N, None]
    degB = deg_p[NS:].reshape(NPAD)[:N, None]

    xs1, dis = _mm1(x, W1, degA, degB)
    acc1 = _scatter_kernel(xs1, src3, dst3)
    xs2 = _mm2(acc1[0, :N], acc1[1, :N], xs1, dis, b1[None, :], W2)
    acc2 = _scatter_kernel(xs2, src3, dst3)
    return _fin(acc2[0, :N], acc2[1, :N], xs2, dis, b2[None, :])

# --- scband reference (transcript-rebuilt; emitter-appended) ---
"""Pipeline reference for scband-gcn-38517266710932 (READ-ONLY COPY).

The authoritative reference and input builder live on the scoring server;
editing this copy changes nothing except your own understanding.
"""

import jax, jax.numpy as jnp
import numpy as np

N_NODES = 10000
N_EDGES = 320000
D_IN = 128
D_HID = 128
D_OUT = 128


def gcn_conv(x, edge_index, W, b):
    # PyG-style GCNConv: add self-loops, symmetric normalization, scatter-add aggregation
    n = x.shape[0]
    src = edge_index[0]
    dst = edge_index[1]
    loop = jnp.arange(n, dtype=src.dtype)
    src = jnp.concatenate([src, loop])
    dst = jnp.concatenate([dst, loop])
    deg = jnp.zeros((n,), dtype=x.dtype).at[dst].add(1.0)
    deg_inv_sqrt = jnp.where(deg > 0, 1.0 / jnp.sqrt(deg), 0.0)
    norm = deg_inv_sqrt[src] * deg_inv_sqrt[dst]
    xw = x @ W
    msg = xw[src] * norm[:, None]
    out = jnp.zeros_like(xw).at[dst].add(msg)
    return out + b


def setup_inputs(seed: int = 0) -> dict:
    key = jax.random.key(seed)
    k1, k2, k3, k4 = jax.random.split(key, 4)
    x = jax.random.normal(k1, (N_NODES, D_IN), dtype=jnp.float32)
    edge_index = jax.random.randint(k2, (2, N_EDGES), 0, N_NODES, dtype=jnp.int32)
    W1 = jax.random.normal(k3, (D_IN, D_HID), dtype=jnp.float32) * (1.0 / np.sqrt(D_IN))
    b1 = jnp.zeros((D_HID,), dtype=jnp.float32)
    W2 = jax.random.normal(k4, (D_HID, D_OUT), dtype=jnp.float32) * (1.0 / np.sqrt(D_HID))
    b2 = jnp.zeros((D_OUT,), dtype=jnp.float32)
    return {"x": x, "edge_index": edge_index, "W1": W1, "b1": b1, "W2": W2, "b2": b2}


def reference(x, edge_index, W1, b1, W2, b2):
    h = gcn_conv(x, edge_index, W1, b1)
    h = jax.nn.relu(h)
    out = gcn_conv(h, edge_index, W2, b2)
    return out

if __name__ == "__main__":
    import jax
    _d = setup_inputs()
    print(jax.jit(kernel)(*tuple(_d.values())))

</pallas_src>

<mosaic_0001>
#map = affine_map<(d0, d1) -> (0, 0, 0)>
#map1 = affine_map<(d0, d1) -> (0, 0)>
module attributes {stable_mosaic.version = 14 : i64} {
  func.func @_deg_kernel(%arg0: i32, %arg1: i32, %arg2: memref<32x80x128xi32, #tpu.memory_space<hbm>>, %arg3: memref<32x640xf32, #tpu.memory_space<hbm>>, %arg4: memref<10240xf32, #tpu.memory_space<vmem_shared>>, %arg5: memref<80x128xi32, #tpu.memory_space<vmem>>, %arg6: memref<128xf32, #tpu.memory_space<vmem>>, %arg7: memref<640xf32, #tpu.memory_space<vmem>>) attributes {dimension_semantics = [#tpu.dimension_semantics<core_parallel>, #tpu.dimension_semantics<subcore_parallel>], iteration_bounds = array<i64: 2, 16>, scalar_prefetch = 0 : i64, scratch_operands = 4 : i64, tpu.core_type = #tpu.core_type<sc_vector_subcore>, window_params = [{transform_indices = #map}, {transform_indices = #map1}]} {
    %mul3A = arith.constant 2 : i32
    %mul3A_0 = arith.muli %arg1, %mul3A : i32
    %add3A = arith.addi %mul3A_0, %arg0 : i32
    %broadcast_in_dim3A = arith.constant 1.000000e+00 : f32
    %broadcast_in_dim3A_1 = vector.broadcast %broadcast_in_dim3A : f32 to vector<16xf32>
    %broadcast_in_dim3A_2 = arith.constant 0.000000e+00 : f32
    %broadcast_in_dim3A_3 = vector.broadcast %broadcast_in_dim3A_2 : f32 to vector<16xf32>
    %scan3A = arith.constant 0 : i32
    %scan3A_4 = arith.constant 0 : i32
    %scan3A_5 = arith.constant 40 : i32
    %scan3A_6 = arith.addi %scan3A_4, %scan3A_5 : i32
    %scan3A_7 = arith.constant 1 : i32
    %scan3A_8 = scf.for %scan3A_25 = %scan3A_4 to %scan3A_6 step %scan3A_7 iter_args(%scan3A_26 = %scan3A) -> (i32)  : i32 {
      %mul3A_27 = arith.constant 16 : i32
      %mul3A_28 = arith.muli %scan3A_25, %mul3A_27 : i32
      %swap3A = arith.index_cast %mul3A_28 : i32 to index
      %swap3A_29 = tpu.vector_load %arg7[%swap3A] {strides = array<i32>} : memref<640xf32, #tpu.memory_space<vmem>>, vector<16xf32>,
      %swap3A_30 = vector.shape_cast %swap3A_29 : vector<16xf32> to vector<16xf32>
      %swap3A_31 = vector.shape_cast %broadcast_in_dim3A_3 : vector<16xf32> to vector<16xf32>
      tpu.vector_store %arg7[%swap3A], %swap3A_31 {strides = array<i32>} : memref<640xf32, #tpu.memory_space<vmem>>, vector<16xf32>,
      %jit3A = arith.constant 8 : i32
      %eq3A = arith.constant 0 : i32
      %eq3A_32 = arith.cmpi eq, %jit3A, %eq3A : i32
      %jit3A_33 = arith.constant 1 : i32
      %select_n3A = arith.select %eq3A_32, %jit3A_33, %jit3A : i32
      %rem3A = arith.remsi %scan3A_25, %select_n3A : i32
      %ne3A = arith.constant 0 : i32
      %ne3A_34 = arith.cmpi ne, %rem3A, %ne3A : i32
      %lt3A = arith.constant 0 : i32
      %lt3A_35 = arith.cmpi slt, %rem3A, %lt3A : i32
      %lt3A_36 = arith.constant 0 : i32
      %lt3A_37 = arith.cmpi slt, %select_n3A, %lt3A_36 : i32
      %ne3A_38 = arith.xori %lt3A_35, %lt3A_37 : i1
      %and3A = arith.andi %ne3A_38, %ne3A_34 : i1
      %add3A_39 = arith.addi %rem3A, %select_n3A : i32
      %select_n3A_40 = arith.select %and3A, %add3A_39, %rem3A : i32
      %mul3A_41 = arith.constant 16 : i32
      %mul3A_42 = arith.muli %select_n3A_40, %mul3A_41 : i32
      %swap3A_43 = arith.index_cast %mul3A_42 : i32 to index
      %swap3A_44 = tpu.vector_load %arg6[%swap3A_43] {strides = array<i32>} : memref<128xf32, #tpu.memory_space<vmem>>, vector<16xf32>,
      %swap3A_45 = vector.shape_cast %swap3A_44 : vector<16xf32> to vector<16xf32>
      %swap3A_46 = vector.shape_cast %broadcast_in_dim3A_1 : vector<16xf32> to vector<16xf32>
      tpu.vector_store %arg6[%swap3A_43], %swap3A_46 {strides = array<i32>} : memref<128xf32, #tpu.memory_space<vmem>>, vector<16xf32>,
      %scan3A_47 = arith.constant 0 : i32
      scf.yield %scan3A_47 : i32
    }
    %scan3A_9 = arith.constant 40 : i32
    "tpu.region"() ({
      %run_scoped3A = tpu.sem_alloc : memref<!tpu.dma_semaphore, #tpu.memory_space<semaphore_mem>>
      %dma_start3A = arith.constant 0 : i32
      %dma_start3A_25 = arith.constant 0 : i32
      %dma_start3A_26 = tpu.memref_slice %arg2[%add3A, %dma_start3A, %dma_start3A_25] : memref<32x80x128xi32, #tpu.memory_space<hbm>> -> memref<1x80x128xi32, #tpu.memory_space<hbm>>
      %dma_start3A_27 = tpu.memref_squeeze %dma_start3A_26 : memref<1x80x128xi32, #tpu.memory_space<hbm>> -> memref<80x128xi32, #tpu.memory_space<hbm>>
      %dma_start3A_28 = arith.constant 0 : i32
      %dma_start3A_29 = arith.constant 0 : i32
      %dma_start3A_30 = tpu.memref_slice %arg2[%add3A, %dma_start3A_28, %dma_start3A_29] : memref<32x80x128xi32, #tpu.memory_space<hbm>> -> memref<1x80x128xi32, #tpu.memory_space<hbm>>
      %dma_start3A_31 = tpu.memref_squeeze %dma_start3A_30 : memref<1x80x128xi32, #tpu.memory_space<hbm>> -> memref<80x128xi32, #tpu.memory_space<hbm>>
      tpu.enqueue_dma source(%dma_start3A_31 : memref<80x128xi32, #tpu.memory_space<hbm>>) target(%arg5 : memref<80x128xi32, #tpu.memory_space<vmem>>) target_semaphore(%run_scoped3A : memref<!tpu.dma_semaphore, #tpu.memory_space<semaphore_mem>>)
      %dma_wait3A = arith.constant 0 : i32
      %dma_wait3A_32 = arith.constant 0 : i32
      %dma_wait3A_33 = tpu.memref_slice %arg2[%add3A, %dma_wait3A, %dma_wait3A_32] : memref<32x80x128xi32, #tpu.memory_space<hbm>> -> memref<1x80x128xi32, #tpu.memory_space<hbm>>
      %dma_wait3A_34 = tpu.memref_squeeze %dma_wait3A_33 : memref<1x80x128xi32, #tpu.memory_space<hbm>> -> memref<80x128xi32, #tpu.memory_space<hbm>>
      %dma_wait3A_35 = arith.constant 0 : i32
      %dma_wait3A_36 = arith.constant 0 : i32
      %dma_wait3A_37 = tpu.memref_slice %arg2[%add3A, %dma_wait3A_35, %dma_wait3A_36] : memref<32x80x128xi32, #tpu.memory_space<hbm>> -> memref<1x80x128xi32, #tpu.memory_space<hbm>>
      %dma_wait3A_38 = tpu.memref_squeeze %dma_wait3A_37 : memref<1x80x128xi32, #tpu.memory_space<hbm>> -> memref<80x128xi32, #tpu.memory_space<hbm>>
      tpu.wait_dma2 semaphore(%run_scoped3A : memref<!tpu.dma_semaphore, #tpu.memory_space<semaphore_mem>>) src(%dma_wait3A_38 : memref<80x128xi32, #tpu.memory_space<hbm>>) dst(%arg5 : memref<80x128xi32, #tpu.memory_space<vmem>>)
      tpu.yield
    }) : () -> ()
    %mul3A_10 = arith.constant 640 : i32
    %mul3A_11 = arith.muli %arg1, %mul3A_10 : i32
    "tpu.region"() ({
      %run_scoped3A = tpu.sem_alloc : memref<!tpu.dma_semaphore, #tpu.memory_space<semaphore_mem>>
      %dma_start3A = tpu.memref_slice %arg4[%mul3A_11] : memref<10240xf32, #tpu.memory_space<vmem_shared>> -> memref<640xf32, #tpu.memory_space<vmem_shared>>
      %dma_start3A_25 = tpu.memref_slice %arg4[%mul3A_11] : memref<10240xf32, #tpu.memory_space<vmem_shared>> -> memref<640xf32, #tpu.memory_space<vmem_shared>>
      tpu.enqueue_dma source(%arg7 : memref<640xf32, #tpu.memory_space<vmem>>) target(%dma_start3A_25 : memref<640xf32, #tpu.memory_space<vmem_shared>>) target_semaphore(%run_scoped3A : memref<!tpu.dma_semaphore, #tpu.memory_space<semaphore_mem>>)
      %dma_wait3A = tpu.memref_slice %arg4[%mul3A_11] : memref<10240xf32, #tpu.memory_space<vmem_shared>> -> memref<640xf32, #tpu.memory_space<vmem_shared>>
      %dma_wait3A_26 = tpu.memref_slice %arg4[%mul3A_11] : memref<10240xf32, #tpu.memory_space<vmem_shared>> -> memref<640xf32, #tpu.memory_space<vmem_shared>>
      tpu.wait_dma2 semaphore(%run_scoped3A : memref<!tpu.dma_semaphore, #tpu.memory_space<semaphore_mem>>) src(%arg7 : memref<640xf32, #tpu.memory_space<vmem>>) dst(%dma_wait3A_26 : memref<640xf32, #tpu.memory_space<vmem_shared>>)
      tpu.yield
    }) : () -> ()
    %barrier3A = arith.constant 0 : index
    tpu.barrier barrier_id(%barrier3A)
    %scan3A_12 = arith.constant 0 : i32
    %scan3A_13 = arith.constant 0 : i32
    %scan3A_14 = arith.constant 80 : i32
    %scan3A_15 = arith.addi %scan3A_13, %scan3A_14 : i32
    %scan3A_16 = arith.constant 1 : i32
    %scan3A_17 = scf.for %scan3A_25 = %scan3A_13 to %scan3A_15 step %scan3A_16 iter_args(%scan3A_26 = %scan3A_12) -> (i32)  : i32 {
      "tpu.region"() ({
        %run_scoped3A = tpu.sem_alloc : memref<!tpu.dma_semaphore, #tpu.memory_space<semaphore_mem>>
        %dma_start3A = arith.constant 0 : i32
        %dma_start3A_28 = tpu.memref_slice %arg5[%scan3A_25, %dma_start3A] : memref<80x128xi32, #tpu.memory_space<vmem>> -> memref<1x128xi32, #tpu.memory_space<vmem>>
        %dma_start3A_29 = tpu.memref_squeeze %dma_start3A_28 : memref<1x128xi32, #tpu.memory_space<vmem>> -> memref<128xi32, #tpu.memory_space<vmem>>
        %dma_start3A_30 = arith.constant 0 : i32
        %dma_start3A_31 = tpu.memref_slice %arg4[%dma_start3A_30] : memref<10240xf32, #tpu.memory_space<vmem_shared>> -> memref<10240xf32, #tpu.memory_space<vmem_shared>>
        tpu.enqueue_indirect_dma source(%arg6 : memref<128xf32, #tpu.memory_space<vmem>>) target(%dma_start3A_31 : memref<10240xf32, #tpu.memory_space<vmem_shared>>) offsets(%dma_start3A_29 : memref<128xi32, #tpu.memory_space<vmem>>) semaphore(%run_scoped3A : memref<!tpu.dma_semaphore, #tpu.memory_space<semaphore_mem>>) {add = true}
        %dma_wait3A = arith.constant 0 : i32
        %dma_wait3A_32 = tpu.memref_slice %arg5[%scan3A_25, %dma_wait3A] : memref<80x128xi32, #tpu.memory_space<vmem>> -> memref<1x128xi32, #tpu.memory_space<vmem>>
        %dma_wait3A_33 = tpu.memref_squeeze %dma_wait3A_32 : memref<1x128xi32, #tpu.memory_space<vmem>> -> memref<128xi32, #tpu.memory_space<vmem>>
        %dma_wait3A_34 = arith.constant 0 : i32
        %dma_wait3A_35 = tpu.memref_slice %arg4[%dma_wait3A_34] : memref<10240xf32, #tpu.memory_space<vmem_shared>> -> memref<10240xf32, #tpu.memory_space<vmem_shared>>
        tpu.wait_indirect_dma semaphore(%run_scoped3A : memref<!tpu.dma_semaphore, #tpu.memory_space<semaphore_mem>>) src(%arg6 : memref<128xf32, #tpu.memory_space<vmem>>) dst(%dma_wait3A_35 : memref<10240xf32, #tpu.memory_space<vmem_shared>>)
        tpu.yield
      }) : () -> ()
      %scan3A_27 = arith.constant 0 : i32
      scf.yield %scan3A_27 : i32
    }
    %scan3A_18 = arith.constant 80 : i32
    %barrier3A_19 = arith.constant 0 : index
    tpu.barrier barrier_id(%barrier3A_19)
    %mul3A_20 = arith.constant 640 : i32
    %mul3A_21 = arith.muli %arg1, %mul3A_20 : i32
    %mul3A_22 = arith.constant 16 : i32
    %mul3A_23 = arith.muli %arg0, %mul3A_22 : i32
    %add3A_24 = arith.addi %mul3A_23, %arg1 : i32
    "tpu.region"() ({
      %run_scoped3A = tpu.sem_alloc : memref<!tpu.dma_semaphore, #tpu.memory_space<semaphore_mem>>
      %dma_start3A = arith.constant 0 : i32
      %dma_start3A_25 = tpu.memref_slice %arg3[%add3A_24, %dma_start3A] : memref<32x640xf32, #tpu.memory_space<hbm>> -> memref<1x640xf32, #tpu.memory_space<hbm>>
      %dma_start3A_26 = tpu.memref_squeeze %dma_start3A_25 : memref<1x640xf32, #tpu.memory_space<hbm>> -> memref<640xf32, #tpu.memory_space<hbm>>
      %dma_start3A_27 = tpu.memref_slice %arg4[%mul3A_21] : memref<10240xf32, #tpu.memory_space<vmem_shared>> -> memref<640xf32, #tpu.memory_space<vmem_shared>>
      tpu.enqueue_dma source(%dma_start3A_27 : memref<640xf32, #tpu.memory_space<vmem_shared>>) target(%dma_start3A_26 : memref<640xf32, #tpu.memory_space<hbm>>) target_semaphore(%run_scoped3A : memref<!tpu.dma_semaphore, #tpu.memory_space<semaphore_mem>>)
      %dma_wait3A = arith.constant 0 : i32
      %dma_wait3A_28 = tpu.memref_slice %arg3[%add3A_24, %dma_wait3A] : memref<32x640xf32, #tpu.memory_space<hbm>> -> memref<1x640xf32, #tpu.memory_space<hbm>>
      %dma_wait3A_29 = tpu.memref_squeeze %dma_wait3A_28 : memref<1x640xf32, #tpu.memory_space<hbm>> -> memref<640xf32, #tpu.memory_space<hbm>>
      %dma_wait3A_30 = tpu.memref_slice %arg4[%mul3A_21] : memref<10240xf32, #tpu.memory_space<vmem_shared>> -> memref<640xf32, #tpu.memory_space<vmem_shared>>
      tpu.wait_dma2 semaphore(%run_scoped3A : memref<!tpu.dma_semaphore, #tpu.memory_space<semaphore_mem>>) src(%dma_wait3A_30 : memref<640xf32, #tpu.memory_space<vmem_shared>>) dst(%dma_wait3A_29 : memref<640xf32, #tpu.memory_space<hbm>>)
      tpu.yield
    }) : () -> ()
    return
  }
}

#map = affine_map<(d0, d1) -> (0, 0)>
#map1 = affine_map<(d0, d1) -> (0)>
#map2 = affine_map<(d0, d1) -> (0, 0, 0)>
module attributes {stable_mosaic.version = 14 : i64} {
  func.func @_scatter_kernel(%arg0: i32, %arg1: i32, %arg2: memref<10000x128xf32, #tpu.memory_space<hbm>>, %arg3: memref<320000xi32, #tpu.memory_space<hbm>>, %arg4: memref<320000xi32, #tpu.memory_space<hbm>>, %arg5: memref<2x10240x128xf32, #tpu.memory_space<hbm>>, %arg6: memref<10240x128xf32, #tpu.memory_space<vmem_shared>>, %arg7: memref<80xi32, #tpu.memory_space<vmem>>, %arg8: memref<80xi32, #tpu.memory_space<vmem>>, %arg9: memref<!tpu.dma_semaphore, #tpu.memory_space<semaphore_mem>>, %arg10: memref<!tpu.dma_semaphore, #tpu.memory_space<semaphore_mem>>, %arg11: memref<!tpu.dma_semaphore, #tpu.memory_space<semaphore_mem>>, %arg12: memref<80x128xf32, #tpu.memory_space<vmem>>, %arg13: memref<80x128xf32, #tpu.memory_space<vmem>>, %arg14: memref<80xi32, #tpu.memory_space<vmem>>, %arg15: memref<80xi32, #tpu.memory_space<vmem>>) attributes {dimension_semantics = [#tpu.dimension_semantics<core_parallel>, #tpu.dimension_semantics<subcore_parallel>], iteration_bounds = array<i64: 2, 16>, scalar_prefetch = 0 : i64, scratch_operands = 10 : i64, tpu.core_type = #tpu.core_type<sc_vector_subcore>, window_params = [{transform_indices = #map}, {transform_indices = #map1}, {transform_indices = #map1}, {transform_indices = #map2}]} {
    %mul3A = arith.constant 2 : i32
    %mul3A_0 = arith.muli %arg1, %mul3A : i32
    %add3A = arith.addi %mul3A_0, %arg0 : i32
    %broadcast_in_dim3A = arith.constant 0.000000e+00 : f32
    %broadcast_in_dim3A_1 = vector.broadcast %broadcast_in_dim3A : f32 to vector<16xf32>
    %scan3A = arith.constant 0 : i32
    %scan3A_2 = arith.constant 0 : i32
    %scan3A_3 = arith.constant 640 : i32
    %scan3A_4 = arith.addi %scan3A_2, %scan3A_3 : i32
    %scan3A_5 = arith.constant 1 : i32
    %scan3A_6 = scf.for %scan3A_76 = %scan3A_2 to %scan3A_4 step %scan3A_5 iter_args(%scan3A_77 = %scan3A) -> (i32)  : i32 {
      %jit3A = arith.constant 8 : i32
      %div3A = arith.divsi %scan3A_76, %jit3A : i32
      %sign3A = arith.constant 0 : i32
      %sign3A_78 = arith.cmpi sgt, %scan3A_76, %sign3A : i32
      %sign3A_79 = arith.extui %sign3A_78 : i1 to i32
      %sign3A_80 = arith.constant 0 : i32
      %sign3A_81 = arith.cmpi slt, %scan3A_76, %sign3A_80 : i32
      %sign3A_82 = arith.extui %sign3A_81 : i1 to i32
      %sign3A_83 = arith.subi %sign3A_79, %sign3A_82 : i32
      %sign3A_84 = arith.constant 0 : i32
      %sign3A_85 = arith.cmpi sgt, %jit3A, %sign3A_84 : i32
      %sign3A_86 = arith.extui %sign3A_85 : i1 to i32
      %sign3A_87 = arith.constant 0 : i32
      %sign3A_88 = arith.cmpi slt, %jit3A, %sign3A_87 : i32
      %sign3A_89 = arith.extui %sign3A_88 : i1 to i32
      %sign3A_90 = arith.subi %sign3A_86, %sign3A_89 : i32
      %ne3A = arith.cmpi ne, %sign3A_83, %sign3A_90 : i32
      %rem3A = arith.remsi %scan3A_76, %jit3A : i32
      %ne3A_91 = arith.constant 0 : i32
      %ne3A_92 = arith.cmpi ne, %rem3A, %ne3A_91 : i32
      %and3A = arith.andi %ne3A, %ne3A_92 : i1
      %sub3A = arith.constant 1 : i32
      %sub3A_93 = arith.subi %div3A, %sub3A : i32
      %select_n3A = arith.select %and3A, %sub3A_93, %div3A : i32
      %mul3A_94 = arith.constant 8 : i32
      %mul3A_95 = arith.muli %select_n3A, %mul3A_94 : i32
      %sub3A_96 = arith.subi %scan3A_76, %mul3A_95 : i32
      %mul3A_97 = arith.constant 16 : i32
      %mul3A_98 = arith.muli %sub3A_96, %mul3A_97 : i32
      %swap3A = arith.index_cast %select_n3A : i32 to index
      %swap3A_99 = arith.index_cast %mul3A_98 : i32 to index
      %swap3A_100 = tpu.vector_load %arg12[%swap3A, %swap3A_99] {strides = array<i32>} : memref<80x128xf32, #tpu.memory_space<vmem>>, vector<1x16xf32>,
      %swap3A_101 = vector.shape_cast %swap3A_100 : vector<1x16xf32> to vector<16xf32>
      %swap3A_102 = vector.shape_cast %broadcast_in_dim3A_1 : vector<16xf32> to vector<1x16xf32>
      tpu.vector_store %arg12[%swap3A, %swap3A_99], %swap3A_102 {strides = array<i32>} : memref<80x128xf32, #tpu.memory_space<vmem>>, vector<1x16xf32>,
      %scan3A_103 = arith.constant 0 : i32
      scf.yield %scan3A_103 : i32
    }
    %scan3A_7 = arith.constant 640 : i32
    %mul3A_8 = arith.constant 640 : i32
    %mul3A_9 = arith.muli %arg1, %mul3A_8 : i32
    %add3A_10 = arith.constant 0 : i32
    %add3A_11 = arith.addi %mul3A_9, %add3A_10 : i32
    "tpu.region"() ({
      %run_scoped3A = tpu.sem_alloc : memref<!tpu.dma_semaphore, #tpu.memory_space<semaphore_mem>>
      %dma_start3A_76 = arith.constant 0 : i32
      %dma_start3A_77 = tpu.memref_slice %arg6[%add3A_11, %dma_start3A_76] : memref<10240x128xf32, #tpu.memory_space<vmem_shared>> -> memref<80x128xf32, #tpu.memory_space<vmem_shared>>
      %dma_start3A_78 = arith.constant 0 : i32
      %dma_start3A_79 = tpu.memref_slice %arg6[%add3A_11, %dma_start3A_78] : memref<10240x128xf32, #tpu.memory_space<vmem_shared>> -> memref<80x128xf32, #tpu.memory_space<vmem_shared>>
      tpu.enqueue_dma source(%arg12 : memref<80x128xf32, #tpu.memory_space<vmem>>) target(%dma_start3A_79 : memref<80x128xf32, #tpu.memory_space<vmem_shared>>) target_semaphore(%run_scoped3A : memref<!tpu.dma_semaphore, #tpu.memory_space<semaphore_mem>>)
      %dma_wait3A_80 = arith.constant 0 : i32
      %dma_wait3A_81 = tpu.memref_slice %arg6[%add3A_11, %dma_wait3A_80] : memref<10240x128xf32, #tpu.memory_space<vmem_shared>> -> memref<80x128xf32, #tpu.memory_space<vmem_shared>>
      %dma_wait3A_82 = arith.constant 0 : i32
      %dma_wait3A_83 = tpu.memref_slice %arg6[%add3A_11, %dma_wait3A_82] : memref<10240x128xf32, #tpu.memory_space<vmem_shared>> -> memref<80x128xf32, #tpu.memory_space<vmem_shared>>
      tpu.wait_dma2 semaphore(%run_scoped3A : memref<!tpu.dma_semaphore, #tpu.memory_space<semaphore_mem>>) src(%arg12 : memref<80x128xf32, #tpu.memory_space<vmem>>) dst(%dma_wait3A_83 : memref<80x128xf32, #tpu.memory_space<vmem_shared>>)
      tpu.yield
    }) : () -> ()
    %mul3A_12 = arith.constant 640 : i32
    %mul3A_13 = arith.muli %arg1, %mul3A_12 : i32
    %add3A_14 = arith.constant 80 : i32
    %add3A_15 = arith.addi %mul3A_13, %add3A_14 : i32
    "tpu.region"() ({
      %run_scoped3A = tpu.sem_alloc : memref<!tpu.dma_semaphore, #tpu.memory_space<semaphore_mem>>
      %dma_start3A_76 = arith.constant 0 : i32
      %dma_start3A_77 = tpu.memref_slice %arg6[%add3A_15, %dma_start3A_76] : memref<10240x128xf32, #tpu.memory_space<vmem_shared>> -> memref<80x128xf32, #tpu.memory_space<vmem_shared>>
      %dma_start3A_78 = arith.constant 0 : i32
      %dma_start3A_79 = tpu.memref_slice %arg6[%add3A_15, %dma_start3A_78] : memref<10240x128xf32, #tpu.memory_space<vmem_shared>> -> memref<80x128xf32, #tpu.memory_space<vmem_shared>>
      tpu.enqueue_dma source(%arg12 : memref<80x128xf32, #tpu.memory_space<vmem>>) target(%dma_start3A_79 : memref<80x128xf32, #tpu.memory_space<vmem_shared>>) target_semaphore(%run_scoped3A : memref<!tpu.dma_semaphore, #tpu.memory_space<semaphore_mem>>)
      %dma_wait3A_80 = arith.constant 0 : i32
      %dma_wait3A_81 = tpu.memref_slice %arg6[%add3A_15, %dma_wait3A_80] : memref<10240x128xf32, #tpu.memory_space<vmem_shared>> -> memref<80x128xf32, #tpu.memory_space<vmem_shared>>
      %dma_wait3A_82 = arith.constant 0 : i32
      %dma_wait3A_83 = tpu.memref_slice %arg6[%add3A_15, %dma_wait3A_82] : memref<10240x128xf32, #tpu.memory_space<vmem_shared>> -> memref<80x128xf32, #tpu.memory_space<vmem_shared>>
      tpu.wait_dma2 semaphore(%run_scoped3A : memref<!tpu.dma_semaphore, #tpu.memory_space<semaphore_mem>>) src(%arg12 : memref<80x128xf32, #tpu.memory_space<vmem>>) dst(%dma_wait3A_83 : memref<80x128xf32, #tpu.memory_space<vmem_shared>>)
      tpu.yield
    }) : () -> ()
    %mul3A_16 = arith.constant 640 : i32
    %mul3A_17 = arith.muli %arg1, %mul3A_16 : i32
    %add3A_18 = arith.constant 160 : i32
    %add3A_19 = arith.addi %mul3A_17, %add3A_18 : i32
    "tpu.region"() ({
      %run_scoped3A = tpu.sem_alloc : memref<!tpu.dma_semaphore, #tpu.memory_space<semaphore_mem>>
      %dma_start3A_76 = arith.constant 0 : i32
      %dma_start3A_77 = tpu.memref_slice %arg6[%add3A_19, %dma_start3A_76] : memref<10240x128xf32, #tpu.memory_space<vmem_shared>> -> memref<80x128xf32, #tpu.memory_space<vmem_shared>>
      %dma_start3A_78 = arith.constant 0 : i32
      %dma_start3A_79 = tpu.memref_slice %arg6[%add3A_19, %dma_start3A_78] : memref<10240x128xf32, #tpu.memory_space<vmem_shared>> -> memref<80x128xf32, #tpu.memory_space<vmem_shared>>
      tpu.enqueue_dma source(%arg12 : memref<80x128xf32, #tpu.memory_space<vmem>>) target(%dma_start3A_79 : memref<80x128xf32, #tpu.memory_space<vmem_shared>>) target_semaphore(%run_scoped3A : memref<!tpu.dma_semaphore, #tpu.memory_space<semaphore_mem>>)
      %dma_wait3A_80 = arith.constant 0 : i32
      %dma_wait3A_81 = tpu.memref_slice %arg6[%add3A_19, %dma_wait3A_80] : memref<10240x128xf32, #tpu.memory_space<vmem_shared>> -> memref<80x128xf32, #tpu.memory_space<vmem_shared>>
      %dma_wait3A_82 = arith.constant 0 : i32
      %dma_wait3A_83 = tpu.memref_slice %arg6[%add3A_19, %dma_wait3A_82] : memref<10240x128xf32, #tpu.memory_space<vmem_shared>> -> memref<80x128xf32, #tpu.memory_space<vmem_shared>>
      tpu.wait_dma2 semaphore(%run_scoped3A : memref<!tpu.dma_semaphore, #tpu.memory_space<semaphore_mem>>) src(%arg12 : memref<80x128xf32, #tpu.memory_space<vmem>>) dst(%dma_wait3A_83 : memref<80x128xf32, #tpu.memory_space<vmem_shared>>)
      tpu.yield
    }) : () -> ()
    %mul3A_20 = arith.constant 640 : i32
    %mul3A_21 = arith.muli %arg1, %mul3A_20 : i32
    %add3A_22 = arith.constant 240 : i32
    %add3A_23 = arith.addi %mul3A_21, %add3A_22 : i32
    "tpu.region"() ({
      %run_scoped3A = tpu.sem_alloc : memref<!tpu.dma_semaphore, #tpu.memory_space<semaphore_mem>>
      %dma_start3A_76 = arith.constant 0 : i32
      %dma_start3A_77 = tpu.memref_slice %arg6[%add3A_23, %dma_start3A_76] : memref<10240x128xf32, #tpu.memory_space<vmem_shared>> -> memref<80x128xf32, #tpu.memory_space<vmem_shared>>
      %dma_start3A_78 = arith.constant 0 : i32
      %dma_start3A_79 = tpu.memref_slice %arg6[%add3A_23, %dma_start3A_78] : memref<10240x128xf32, #tpu.memory_space<vmem_shared>> -> memref<80x128xf32, #tpu.memory_space<vmem_shared>>
      tpu.enqueue_dma source(%arg12 : memref<80x128xf32, #tpu.memory_space<vmem>>) target(%dma_start3A_79 : memref<80x128xf32, #tpu.memory_space<vmem_shared>>) target_semaphore(%run_scoped3A : memref<!tpu.dma_semaphore, #tpu.memory_space<semaphore_mem>>)
      %dma_wait3A_80 = arith.constant 0 : i32
      %dma_wait3A_81 = tpu.memref_slice %arg6[%add3A_23, %dma_wait3A_80] : memref<10240x128xf32, #tpu.memory_space<vmem_shared>> -> memref<80x128xf32, #tpu.memory_space<vmem_shared>>
      %dma_wait3A_82 = arith.constant 0 : i32
      %dma_wait3A_83 = tpu.memref_slice %arg6[%add3A_23, %dma_wait3A_82] : memref<10240x128xf32, #tpu.memory_space<vmem_shared>> -> memref<80x128xf32, #tpu.memory_space<vmem_shared>>
      tpu.wait_dma2 semaphore(%run_scoped3A : memref<!tpu.dma_semaphore, #tpu.memory_space<semaphore_mem>>) src(%arg12 : memref<80x128xf32, #tpu.memory_space<vmem>>) dst(%dma_wait3A_83 : memref<80x128xf32, #tpu.memory_space<vmem_shared>>)
      tpu.yield
    }) : () -> ()
    %mul3A_24 = arith.constant 640 : i32
    %mul3A_25 = arith.muli %arg1, %mul3A_24 : i32
    %add3A_26 = arith.constant 320 : i32
    %add3A_27 = arith.addi %mul3A_25, %add3A_26 : i32
    "tpu.region"() ({
      %run_scoped3A = tpu.sem_alloc : memref<!tpu.dma_semaphore, #tpu.memory_space<semaphore_mem>>
      %dma_start3A_76 = arith.constant 0 : i32
      %dma_start3A_77 = tpu.memref_slice %arg6[%add3A_27, %dma_start3A_76] : memref<10240x128xf32, #tpu.memory_space<vmem_shared>> -> memref<80x128xf32, #tpu.memory_space<vmem_shared>>
      %dma_start3A_78 = arith.constant 0 : i32
      %dma_start3A_79 = tpu.memref_slice %arg6[%add3A_27, %dma_start3A_78] : memref<10240x128xf32, #tpu.memory_space<vmem_shared>> -> memref<80x128xf32, #tpu.memory_space<vmem_shared>>
      tpu.enqueue_dma source(%arg12 : memref<80x128xf32, #tpu.memory_space<vmem>>) target(%dma_start3A_79 : memref<80x128xf32, #tpu.memory_space<vmem_shared>>) target_semaphore(%run_scoped3A : memref<!tpu.dma_semaphore, #tpu.memory_space<semaphore_mem>>)
      %dma_wait3A_80 = arith.constant 0 : i32
      %dma_wait3A_81 = tpu.memref_slice %arg6[%add3A_27, %dma_wait3A_80] : memref<10240x128xf32, #tpu.memory_space<vmem_shared>> -> memref<80x128xf32, #tpu.memory_space<vmem_shared>>
      %dma_wait3A_82 = arith.constant 0 : i32
      %dma_wait3A_83 = tpu.memref_slice %arg6[%add3A_27, %dma_wait3A_82] : memref<10240x128xf32, #tpu.memory_space<vmem_shared>> -> memref<80x128xf32, #tpu.memory_space<vmem_shared>>
      tpu.wait_dma2 semaphore(%run_scoped3A : memref<!tpu.dma_semaphore, #tpu.memory_space<semaphore_mem>>) src(%arg12 : memref<80x128xf32, #tpu.memory_space<vmem>>) dst(%dma_wait3A_83 : memref<80x128xf32, #tpu.memory_space<vmem_shared>>)
      tpu.yield
    }) : () -> ()
    %mul3A_28 = arith.constant 640 : i32
    %mul3A_29 = arith.muli %arg1, %mul3A_28 : i32
    %add3A_30 = arith.constant 400 : i32
    %add3A_31 = arith.addi %mul3A_29, %add3A_30 : i32
    "tpu.region"() ({
      %run_scoped3A = tpu.sem_alloc : memref<!tpu.dma_semaphore, #tpu.memory_space<semaphore_mem>>
      %dma_start3A_76 = arith.constant 0 : i32
      %dma_start3A_77 = tpu.memref_slice %arg6[%add3A_31, %dma_start3A_76] : memref<10240x128xf32, #tpu.memory_space<vmem_shared>> -> memref<80x128xf32, #tpu.memory_space<vmem_shared>>
      %dma_start3A_78 = arith.constant 0 : i32
      %dma_start3A_79 = tpu.memref_slice %arg6[%add3A_31, %dma_start3A_78] : memref<10240x128xf32, #tpu.memory_space<vmem_shared>> -> memref<80x128xf32, #tpu.memory_space<vmem_shared>>
      tpu.enqueue_dma source(%arg12 : memref<80x128xf32, #tpu.memory_space<vmem>>) target(%dma_start3A_79 : memref<80x128xf32, #tpu.memory_space<vmem_shared>>) target_semaphore(%run_scoped3A : memref<!tpu.dma_semaphore, #tpu.memory_space<semaphore_mem>>)
      %dma_wait3A_80 = arith.constant 0 : i32
      %dma_wait3A_81 = tpu.memref_slice %arg6[%add3A_31, %dma_wait3A_80] : memref<10240x128xf32, #tpu.memory_space<vmem_shared>> -> memref<80x128xf32, #tpu.memory_space<vmem_shared>>
      %dma_wait3A_82 = arith.constant 0 : i32
      %dma_wait3A_83 = tpu.memref_slice %arg6[%add3A_31, %dma_wait3A_82] : memref<10240x128xf32, #tpu.memory_space<vmem_shared>> -> memref<80x128xf32, #tpu.memory_space<vmem_shared>>
      tpu.wait_dma2 semaphore(%run_scoped3A : memref<!tpu.dma_semaphore, #tpu.memory_space<semaphore_mem>>) src(%arg12 : memref<80x128xf32, #tpu.memory_space<vmem>>) dst(%dma_wait3A_83 : memref<80x128xf32, #tpu.memory_space<vmem_shared>>)
      tpu.yield
    }) : () -> ()
    %mul3A_32 = arith.constant 640 : i32
    %mul3A_33 = arith.muli %arg1, %mul3A_32 : i32
    %add3A_34 = arith.constant 480 : i32
    %add3A_35 = arith.addi %mul3A_33, %add3A_34 : i32
    "tpu.region"() ({
      %run_scoped3A = tpu.sem_alloc : memref<!tpu.dma_semaphore, #tpu.memory_space<semaphore_mem>>
      %dma_start3A_76 = arith.constant 0 : i32
      %dma_start3A_77 = tpu.memref_slice %arg6[%add3A_35, %dma_start3A_76] : memref<10240x128xf32, #tpu.memory_space<vmem_shared>> -> memref<80x128xf32, #tpu.memory_space<vmem_shared>>
      %dma_start3A_78 = arith.constant 0 : i32
      %dma_start3A_79 = tpu.memref_slice %arg6[%add3A_35, %dma_start3A_78] : memref<10240x128xf32, #tpu.memory_space<vmem_shared>> -> memref<80x128xf32, #tpu.memory_space<vmem_shared>>
      tpu.enqueue_dma source(%arg12 : memref<80x128xf32, #tpu.memory_space<vmem>>) target(%dma_start3A_79 : memref<80x128xf32, #tpu.memory_space<vmem_shared>>) target_semaphore(%run_scoped3A : memref<!tpu.dma_semaphore, #tpu.memory_space<semaphore_mem>>)
      %dma_wait3A_80 = arith.constant 0 : i32
      %dma_wait3A_81 = tpu.memref_slice %arg6[%add3A_35, %dma_wait3A_80] : memref<10240x128xf32, #tpu.memory_space<vmem_shared>> -> memref<80x128xf32, #tpu.memory_space<vmem_shared>>
      %dma_wait3A_82 = arith.constant 0 : i32
      %dma_wait3A_83 = tpu.memref_slice %arg6[%add3A_35, %dma_wait3A_82] : memref<10240x128xf32, #tpu.memory_space<vmem_shared>> -> memref<80x128xf32, #tpu.memory_space<vmem_shared>>
      tpu.wait_dma2 semaphore(%run_scoped3A : memref<!tpu.dma_semaphore, #tpu.memory_space<semaphore_mem>>) src(%arg12 : memref<80x128xf32, #tpu.memory_space<vmem>>) dst(%dma_wait3A_83 : memref<80x128xf32, #tpu.memory_space<vmem_shared>>)
      tpu.yield
    }) : () -> ()
    %mul3A_36 = arith.constant 640 : i32
    %mul3A_37 = arith.muli %arg1, %mul3A_36 : i32
    %add3A_38 = arith.constant 560 : i32
    %add3A_39 = arith.addi %mul3A_37, %add3A_38 : i32
    "tpu.region"() ({
      %run_scoped3A = tpu.sem_alloc : memref<!tpu.dma_semaphore, #tpu.memory_space<semaphore_mem>>
      %dma_start3A_76 = arith.constant 0 : i32
      %dma_start3A_77 = tpu.memref_slice %arg6[%add3A_39, %dma_start3A_76] : memref<10240x128xf32, #tpu.memory_space<vmem_shared>> -> memref<80x128xf32, #tpu.memory_space<vmem_shared>>
      %dma_start3A_78 = arith.constant 0 : i32
      %dma_start3A_79 = tpu.memref_slice %arg6[%add3A_39, %dma_start3A_78] : memref<10240x128xf32, #tpu.memory_space<vmem_shared>> -> memref<80x128xf32, #tpu.memory_space<vmem_shared>>
      tpu.enqueue_dma source(%arg12 : memref<80x128xf32, #tpu.memory_space<vmem>>) target(%dma_start3A_79 : memref<80x128xf32, #tpu.memory_space<vmem_shared>>) target_semaphore(%run_scoped3A : memref<!tpu.dma_semaphore, #tpu.memory_space<semaphore_mem>>)
      %dma_wait3A_80 = arith.constant 0 : i32
      %dma_wait3A_81 = tpu.memref_slice %arg6[%add3A_39, %dma_wait3A_80] : memref<10240x128xf32, #tpu.memory_space<vmem_shared>> -> memref<80x128xf32, #tpu.memory_space<vmem_shared>>
      %dma_wait3A_82 = arith.constant 0 : i32
      %dma_wait3A_83 = tpu.memref_slice %arg6[%add3A_39, %dma_wait3A_82] : memref<10240x128xf32, #tpu.memory_space<vmem_shared>> -> memref<80x128xf32, #tpu.memory_space<vmem_shared>>
      tpu.wait_dma2 semaphore(%run_scoped3A : memref<!tpu.dma_semaphore, #tpu.memory_space<semaphore_mem>>) src(%arg12 : memref<80x128xf32, #tpu.memory_space<vmem>>) dst(%dma_wait3A_83 : memref<80x128xf32, #tpu.memory_space<vmem_shared>>)
      tpu.yield
    }) : () -> ()
    %mul3A_40 = arith.constant 10000 : i32
    %mul3A_41 = arith.muli %add3A, %mul3A_40 : i32
    "tpu.region"() ({
      %run_scoped3A = tpu.sem_alloc : memref<!tpu.dma_semaphore, #tpu.memory_space<semaphore_mem>>
      %dma_start3A_76 = tpu.memref_slice %arg3[%mul3A_41] : memref<320000xi32, #tpu.memory_space<hbm>> -> memref<80xi32, #tpu.memory_space<hbm>>
      %dma_start3A_77 = tpu.memref_slice %arg3[%mul3A_41] : memref<320000xi32, #tpu.memory_space<hbm>> -> memref<80xi32, #tpu.memory_space<hbm>>
      tpu.enqueue_dma source(%dma_start3A_77 : memref<80xi32, #tpu.memory_space<hbm>>) target(%arg14 : memref<80xi32, #tpu.memory_space<vmem>>) target_semaphore(%run_scoped3A : memref<!tpu.dma_semaphore, #tpu.memory_space<semaphore_mem>>)
      %dma_wait3A_78 = tpu.memref_slice %arg3[%mul3A_41] : memref<320000xi32, #tpu.memory_space<hbm>> -> memref<80xi32, #tpu.memory_space<hbm>>
      %dma_wait3A_79 = tpu.memref_slice %arg3[%mul3A_41] : memref<320000xi32, #tpu.memory_space<hbm>> -> memref<80xi32, #tpu.memory_space<hbm>>
      tpu.wait_dma2 semaphore(%run_scoped3A : memref<!tpu.dma_semaphore, #tpu.memory_space<semaphore_mem>>) src(%dma_wait3A_79 : memref<80xi32, #tpu.memory_space<hbm>>) dst(%arg14 : memref<80xi32, #tpu.memory_space<vmem>>)
      tpu.yield
    }) : () -> ()
    %mul3A_42 = arith.constant 10000 : i32
    %mul3A_43 = arith.muli %add3A, %mul3A_42 : i32
    "tpu.region"() ({
      %run_scoped3A = tpu.sem_alloc : memref<!tpu.dma_semaphore, #tpu.memory_space<semaphore_mem>>
      %dma_start3A_76 = tpu.memref_slice %arg4[%mul3A_43] : memref<320000xi32, #tpu.memory_space<hbm>> -> memref<80xi32, #tpu.memory_space<hbm>>
      %dma_start3A_77 = tpu.memref_slice %arg4[%mul3A_43] : memref<320000xi32, #tpu.memory_space<hbm>> -> memref<80xi32, #tpu.memory_space<hbm>>
      tpu.enqueue_dma source(%dma_start3A_77 : memref<80xi32, #tpu.memory_space<hbm>>) target(%arg7 : memref<80xi32, #tpu.memory_space<vmem>>) target_semaphore(%run_scoped3A : memref<!tpu.dma_semaphore, #tpu.memory_space<semaphore_mem>>)
      %dma_wait3A_78 = tpu.memref_slice %arg4[%mul3A_43] : memref<320000xi32, #tpu.memory_space<hbm>> -> memref<80xi32, #tpu.memory_space<hbm>>
      %dma_wait3A_79 = tpu.memref_slice %arg4[%mul3A_43] : memref<320000xi32, #tpu.memory_space<hbm>> -> memref<80xi32, #tpu.memory_space<hbm>>
      tpu.wait_dma2 semaphore(%run_scoped3A : memref<!tpu.dma_semaphore, #tpu.memory_space<semaphore_mem>>) src(%dma_wait3A_79 : memref<80xi32, #tpu.memory_space<hbm>>) dst(%arg7 : memref<80xi32, #tpu.memory_space<vmem>>)
      tpu.yield
    }) : () -> ()
    %barrier3A = arith.constant 0 : index
    tpu.barrier barrier_id(%barrier3A)
    %dma_start3A = arith.constant 0 : i32
    %dma_start3A_44 = arith.constant 0 : i32
    %dma_start3A_45 = tpu.memref_slice %arg2[%dma_start3A, %dma_start3A_44] : memref<10000x128xf32, #tpu.memory_space<hbm>> -> memref<10000x128xf32, #tpu.memory_space<hbm>>
    tpu.enqueue_indirect_dma source(%dma_start3A_45 : memref<10000x128xf32, #tpu.memory_space<hbm>>) target(%arg12 : memref<80x128xf32, #tpu.memory_space<vmem>>) offsets(%arg14 : memref<80xi32, #tpu.memory_space<vmem>>) semaphore(%arg9 : memref<!tpu.dma_semaphore, #tpu.memory_space<semaphore_mem>>)
    %mul3A_46 = arith.constant 10000 : i32
    %mul3A_47 = arith.muli %add3A, %mul3A_46 : i32
    %add3A_48 = arith.constant 80 : i32
    %add3A_49 = arith.addi %mul3A_47, %add3A_48 : i32
    %dma_start3A_50 = tpu.memref_slice %arg3[%add3A_49] : memref<320000xi32, #tpu.memory_space<hbm>> -> memref<80xi32, #tpu.memory_space<hbm>>
    %dma_start3A_51 = tpu.memref_slice %arg3[%add3A_49] : memref<320000xi32, #tpu.memory_space<hbm>> -> memref<80xi32, #tpu.memory_space<hbm>>
    tpu.enqueue_dma source(%dma_start3A_51 : memref<80xi32, #tpu.memory_space<hbm>>) target(%arg15 : memref<80xi32, #tpu.memory_space<vmem>>) target_semaphore(%arg11 : memref<!tpu.dma_semaphore, #tpu.memory_space<semaphore_mem>>)
    %dma_start3A_52 = tpu.memref_slice %arg4[%add3A_49] : memref<320000xi32, #tpu.memory_space<hbm>> -> memref<80xi32, #tpu.memory_space<hbm>>
    %dma_start3A_53 = tpu.memref_slice %arg4[%add3A_49] : memref<320000xi32, #tpu.memory_space<hbm>> -> memref<80xi32, #tpu.memory_space<hbm>>
    tpu.enqueue_dma source(%dma_start3A_53 : memref<80xi32, #tpu.memory_space<hbm>>) target(%arg8 : memref<80xi32, #tpu.memory_space<vmem>>) target_semaphore(%arg11 : memref<!tpu.dma_semaphore, #tpu.memory_space<semaphore_mem>>)
    %scan3A_54 = arith.constant 0 : i32
    %scan3A_55 = arith.constant 0 : i32
    %scan3A_56 = arith.constant 62 : i32
    %scan3A_57 = arith.addi %scan3A_55, %scan3A_56 : i32
    %scan3A_58 = arith.constant 1 : i32
    %scan3A_59 = scf.for %scan3A_76 = %scan3A_55 to %scan3A_57 step %scan3A_58 iter_args(%scan3A_77 = %scan3A_54) -> (i32)  : i32 {
      %mul3A_78 = arith.constant 2 : i32
      %mul3A_79 = arith.muli %mul3A_78, %scan3A_76 : i32
      %add3A_80 = arith.constant 1 : i32
      %add3A_81 = arith.addi %mul3A_79, %add3A_80 : i32
      %mul3A_82 = arith.constant 10000 : i32
      %mul3A_83 = arith.muli %add3A, %mul3A_82 : i32
      %mul3A_84 = arith.constant 80 : i32
      %mul3A_85 = arith.muli %add3A_81, %mul3A_84 : i32
      %add3A_86 = arith.addi %mul3A_83, %mul3A_85 : i32
      %dma_wait3A_87 = tpu.memref_slice %arg3[%add3A_86] : memref<320000xi32, #tpu.memory_space<hbm>> -> memref<80xi32, #tpu.memory_space<hbm>>
      %dma_wait3A_88 = tpu.memref_slice %arg3[%add3A_86] : memref<320000xi32, #tpu.memory_space<hbm>> -> memref<80xi32, #tpu.memory_space<hbm>>
      tpu.wait_dma2 semaphore(%arg11 : memref<!tpu.dma_semaphore, #tpu.memory_space<semaphore_mem>>) src(%dma_wait3A_88 : memref<80xi32, #tpu.memory_space<hbm>>) dst(%arg15 : memref<80xi32, #tpu.memory_space<vmem>>)
      %dma_wait3A_89 = tpu.memref_slice %arg4[%add3A_86] : memref<320000xi32, #tpu.memory_space<hbm>> -> memref<80xi32, #tpu.memory_space<hbm>>
      %dma_wait3A_90 = tpu.memref_slice %arg4[%add3A_86] : memref<320000xi32, #tpu.memory_space<hbm>> -> memref<80xi32, #tpu.memory_space<hbm>>
      tpu.wait_dma2 semaphore(%arg11 : memref<!tpu.dma_semaphore, #tpu.memory_space<semaphore_mem>>) src(%dma_wait3A_90 : memref<80xi32, #tpu.memory_space<hbm>>) dst(%arg8 : memref<80xi32, #tpu.memory_space<vmem>>)
      %dma_start3A_91 = arith.constant 0 : i32
      %dma_start3A_92 = arith.constant 0 : i32
      %dma_start3A_93 = tpu.memref_slice %arg2[%dma_start3A_91, %dma_start3A_92] : memref<10000x128xf32, #tpu.memory_space<hbm>> -> memref<10000x128xf32, #tpu.memory_space<hbm>>
      tpu.enqueue_indirect_dma source(%dma_start3A_93 : memref<10000x128xf32, #tpu.memory_space<hbm>>) target(%arg13 : memref<80x128xf32, #tpu.memory_space<vmem>>) offsets(%arg15 : memref<80xi32, #tpu.memory_space<vmem>>) semaphore(%arg10 : memref<!tpu.dma_semaphore, #tpu.memory_space<semaphore_mem>>)
      %dma_wait3A_94 = arith.constant 0 : i32
      %dma_wait3A_95 = arith.constant 0 : i32
      %dma_wait3A_96 = tpu.memref_slice %arg2[%dma_wait3A_94, %dma_wait3A_95] : memref<10000x128xf32, #tpu.memory_space<hbm>> -> memref<10000x128xf32, #tpu.memory_space<hbm>>
      tpu.wait_indirect_dma semaphore(%arg9 : memref<!tpu.dma_semaphore, #tpu.memory_space<semaphore_mem>>) src(%dma_wait3A_96 : memref<10000x128xf32, #tpu.memory_space<hbm>>) dst(%arg12 : memref<80x128xf32, #tpu.memory_space<vmem>>)
      "tpu.region"() ({
        %run_scoped3A = tpu.sem_alloc : memref<!tpu.dma_semaphore, #tpu.memory_space<semaphore_mem>>
        %dma_start3A_138 = arith.constant 0 : i32
        %dma_start3A_139 = arith.constant 0 : i32
        %dma_start3A_140 = tpu.memref_slice %arg6[%dma_start3A_138, %dma_start3A_139] : memref<10240x128xf32, #tpu.memory_space<vmem_shared>> -> memref<10240x128xf32, #tpu.memory_space<vmem_shared>>
        tpu.enqueue_indirect_dma source(%arg12 : memref<80x128xf32, #tpu.memory_space<vmem>>) target(%dma_start3A_140 : memref<10240x128xf32, #tpu.memory_space<vmem_shared>>) offsets(%arg7 : memref<80xi32, #tpu.memory_space<vmem>>) semaphore(%run_scoped3A : memref<!tpu.dma_semaphore, #tpu.memory_space<semaphore_mem>>) {add = true}
        %dma_wait3A_141 = arith.constant 0 : i32
        %dma_wait3A_142 = arith.constant 0 : i32
        %dma_wait3A_143 = tpu.memref_slice %arg6[%dma_wait3A_141, %dma_wait3A_142] : memref<10240x128xf32, #tpu.memory_space<vmem_shared>> -> memref<10240x128xf32, #tpu.memory_space<vmem_shared>>
        tpu.wait_indirect_dma semaphore(%run_scoped3A : memref<!tpu.dma_semaphore, #tpu.memory_space<semaphore_mem>>) src(%arg12 : memref<80x128xf32, #tpu.memory_space<vmem>>) dst(%dma_wait3A_143 : memref<10240x128xf32, #tpu.memory_space<vmem_shared>>)
        tpu.yield
      }) : () -> ()
      %add3A_97 = arith.constant 2 : i32
      %add3A_98 = arith.addi %mul3A_79, %add3A_97 : i32
      %mul3A_99 = arith.constant 10000 : i32
      %mul3A_100 = arith.muli %add3A, %mul3A_99 : i32
      %mul3A_101 = arith.constant 80 : i32
      %mul3A_102 = arith.muli %add3A_98, %mul3A_101 : i32
      %add3A_103 = arith.addi %mul3A_100, %mul3A_102 : i32
      %dma_start3A_104 = tpu.memref_slice %arg3[%add3A_103] : memref<320000xi32, #tpu.memory_space<hbm>> -> memref<80xi32, #tpu.memory_space<hbm>>
      %dma_start3A_105 = tpu.memref_slice %arg3[%add3A_103] : memref<320000xi32, #tpu.memory_space<hbm>> -> memref<80xi32, #tpu.memory_space<hbm>>
      tpu.enqueue_dma source(%dma_start3A_105 : memref<80xi32, #tpu.memory_space<hbm>>) target(%arg14 : memref<80xi32, #tpu.memory_space<vmem>>) target_semaphore(%arg11 : memref<!tpu.dma_semaphore, #tpu.memory_space<semaphore_mem>>)
      %dma_start3A_106 = tpu.memref_slice %arg4[%add3A_103] : memref<320000xi32, #tpu.memory_space<hbm>> -> memref<80xi32, #tpu.memory_space<hbm>>
      %dma_start3A_107 = tpu.memref_slice %arg4[%add3A_103] : memref<320000xi32, #tpu.memory_space<hbm>> -> memref<80xi32, #tpu.memory_space<hbm>>
      tpu.enqueue_dma source(%dma_start3A_107 : memref<80xi32, #tpu.memory_space<hbm>>) target(%arg7 : memref<80xi32, #tpu.memory_space<vmem>>) target_semaphore(%arg11 : memref<!tpu.dma_semaphore, #tpu.memory_space<semaphore_mem>>)
      %add3A_108 = arith.constant 2 : i32
      %add3A_109 = arith.addi %mul3A_79, %add3A_108 : i32
      %mul3A_110 = arith.constant 10000 : i32
      %mul3A_111 = arith.muli %add3A, %mul3A_110 : i32
      %mul3A_112 = arith.constant 80 : i32
      %mul3A_113 = arith.muli %add3A_109, %mul3A_112 : i32
      %add3A_114 = arith.addi %mul3A_111, %mul3A_113 : i32
      %dma_wait3A_115 = tpu.memref_slice %arg3[%add3A_114] : memref<320000xi32, #tpu.memory_space<hbm>> -> memref<80xi32, #tpu.memory_space<hbm>>
      %dma_wait3A_116 = tpu.memref_slice %arg3[%add3A_114] : memref<320000xi32, #tpu.memory_space<hbm>> -> memref<80xi32, #tpu.memory_space<hbm>>
      tpu.wait_dma2 semaphore(%arg11 : memref<!tpu.dma_semaphore, #tpu.memory_space<semaphore_mem>>) src(%dma_wait3A_116 : memref<80xi32, #tpu.memory_space<hbm>>) dst(%arg14 : memref<80xi32, #tpu.memory_space<vmem>>)
      %dma_wait3A_117 = tpu.memref_slice %arg4[%add3A_114] : memref<320000xi32, #tpu.memory_space<hbm>> -> memref<80xi32, #tpu.memory_space<hbm>>
      %dma_wait3A_118 = tpu.memref_slice %arg4[%add3A_114] : memref<320000xi32, #tpu.memory_space<hbm>> -> memref<80xi32, #tpu.memory_space<hbm>>
      tpu.wait_dma2 semaphore(%arg11 : memref<!tpu.dma_semaphore, #tpu.memory_space<semaphore_mem>>) src(%dma_wait3A_118 : memref<80xi32, #tpu.memory_space<hbm>>) dst(%arg7 : memref<80xi32, #tpu.memory_space<vmem>>)
      %dma_start3A_119 = arith.constant 0 : i32
      %dma_start3A_120 = arith.constant 0 : i32
      %dma_start3A_121 = tpu.memref_slice %arg2[%dma_start3A_119, %dma_start3A_120] : memref<10000x128xf32, #tpu.memory_space<hbm>> -> memref<10000x128xf32, #tpu.memory_space<hbm>>
      tpu.enqueue_indirect_dma source(%dma_start3A_121 : memref<10000x128xf32, #tpu.memory_space<hbm>>) target(%arg12 : memref<80x128xf32, #tpu.memory_space<vmem>>) offsets(%arg14 : memref<80xi32, #tpu.memory_space<vmem>>) semaphore(%arg9 : memref<!tpu.dma_semaphore, #tpu.memory_space<semaphore_mem>>)
      %dma_wait3A_122 = arith.constant 0 : i32
      %dma_wait3A_123 = arith.constant 0 : i32
      %dma_wait3A_124 = tpu.memref_slice %arg2[%dma_wait3A_122, %dma_wait3A_123] : memref<10000x128xf32, #tpu.memory_space<hbm>> -> memref<10000x128xf32, #tpu.memory_space<hbm>>
      tpu.wait_indirect_dma semaphore(%arg10 : memref<!tpu.dma_semaphore, #tpu.memory_space<semaphore_mem>>) src(%dma_wait3A_124 : memref<10000x128xf32, #tpu.memory_space<hbm>>) dst(%arg13 : memref<80x128xf32, #tpu.memory_space<vmem>>)
      "tpu.region"() ({
        %run_scoped3A = tpu.sem_alloc : memref<!tpu.dma_semaphore, #tpu.memory_space<semaphore_mem>>
        %dma_start3A_138 = arith.constant 0 : i32
        %dma_start3A_139 = arith.constant 0 : i32
        %dma_start3A_140 = tpu.memref_slice %arg6[%dma_start3A_138, %dma_start3A_139] : memref<10240x128xf32, #tpu.memory_space<vmem_shared>> -> memref<10240x128xf32, #tpu.memory_space<vmem_shared>>
        tpu.enqueue_indirect_dma source(%arg13 : memref<80x128xf32, #tpu.memory_space<vmem>>) target(%dma_start3A_140 : memref<10240x128xf32, #tpu.memory_space<vmem_shared>>) offsets(%arg8 : memref<80xi32, #tpu.memory_space<vmem>>) semaphore(%run_scoped3A : memref<!tpu.dma_semaphore, #tpu.memory_space<semaphore_mem>>) {add = true}
        %dma_wait3A_141 = arith.constant 0 : i32
        %dma_wait3A_142 = arith.constant 0 : i32
        %dma_wait3A_143 = tpu.memref_slice %arg6[%dma_wait3A_141, %dma_wait3A_142] : memref<10240x128xf32, #tpu.memory_space<vmem_shared>> -> memref<10240x128xf32, #tpu.memory_space<vmem_shared>>
        tpu.wait_indirect_dma semaphore(%run_scoped3A : memref<!tpu.dma_semaphore, #tpu.memory_space<semaphore_mem>>) src(%arg13 : memref<80x128xf32, #tpu.memory_space<vmem>>) dst(%dma_wait3A_143 : memref<10240x128xf32, #tpu.memory_space<vmem_shared>>)
        tpu.yield
      }) : () -> ()
      %add3A_125 = arith.constant 3 : i32
      %add3A_126 = arith.addi %mul3A_79, %add3A_125 : i32
      %min3A = arith.constant 124 : i32
      %min3A_127 = arith.minsi %add3A_126, %min3A : i32
      %mul3A_128 = arith.constant 10000 : i32
      %mul3A_129 = arith.muli %add3A, %mul3A_128 : i32
      %mul3A_130 = arith.constant 80 : i32
      %mul3A_131 = arith.muli %min3A_127, %mul3A_130 : i32
      %add3A_132 = arith.addi %mul3A_129, %mul3A_131 : i32
      %dma_start3A_133 = tpu.memref_slice %arg3[%add3A_132] : memref<320000xi32, #tpu.memory_space<hbm>> -> memref<80xi32, #tpu.memory_space<hbm>>
      %dma_start3A_134 = tpu.memref_slice %arg3[%add3A_132] : memref<320000xi32, #tpu.memory_space<hbm>> -> memref<80xi32, #tpu.memory_space<hbm>>
      tpu.enqueue_dma source(%dma_start3A_134 : memref<80xi32, #tpu.memory_space<hbm>>) target(%arg15 : memref<80xi32, #tpu.memory_space<vmem>>) target_semaphore(%arg11 : memref<!tpu.dma_semaphore, #tpu.memory_space<semaphore_mem>>)
      %dma_start3A_135 = tpu.memref_slice %arg4[%add3A_132] : memref<320000xi32, #tpu.memory_space<hbm>> -> memref<80xi32, #tpu.memory_space<hbm>>
      %dma_start3A_136 = tpu.memref_slice %arg4[%add3A_132] : memref<320000xi32, #tpu.memory_space<hbm>> -> memref<80xi32, #tpu.memory_space<hbm>>
      tpu.enqueue_dma source(%dma_start3A_136 : memref<80xi32, #tpu.memory_space<hbm>>) target(%arg8 : memref<80xi32, #tpu.memory_space<vmem>>) target_semaphore(%arg11 : memref<!tpu.dma_semaphore, #tpu.memory_space<semaphore_mem>>)
      %scan3A_137 = arith.constant 0 : i32
      scf.yield %scan3A_137 : i32
    }
    %scan3A_60 = arith.constant 62 : i32
    %dma_wait3A = arith.constant 0 : i32
    %dma_wait3A_61 = arith.constant 0 : i32
    %dma_wait3A_62 = tpu.memref_slice %arg2[%dma_wait3A, %dma_wait3A_61] : memref<10000x128xf32, #tpu.memory_space<hbm>> -> memref<10000x128xf32, #tpu.memory_space<hbm>>
    tpu.wait_indirect_dma semaphore(%arg9 : memref<!tpu.dma_semaphore, #tpu.memory_space<semaphore_mem>>) src(%dma_wait3A_62 : memref<10000x128xf32, #tpu.memory_space<hbm>>) dst(%arg12 : memref<80x128xf32, #tpu.memory_space<vmem>>)
    "tpu.region"() ({
      %run_scoped3A = tpu.sem_alloc : memref<!tpu.dma_semaphore, #tpu.memory_space<semaphore_mem>>
      %dma_start3A_76 = arith.constant 0 : i32
      %dma_start3A_77 = arith.constant 0 : i32
      %dma_start3A_78 = tpu.memref_slice %arg6[%dma_start3A_76, %dma_start3A_77] : memref<10240x128xf32, #tpu.memory_space<vmem_shared>> -> memref<10240x128xf32, #tpu.memory_space<vmem_shared>>
      tpu.enqueue_indirect_dma source(%arg12 : memref<80x128xf32, #tpu.memory_space<vmem>>) target(%dma_start3A_78 : memref<10240x128xf32, #tpu.memory_space<vmem_shared>>) offsets(%arg7 : memref<80xi32, #tpu.memory_space<vmem>>) semaphore(%run_scoped3A : memref<!tpu.dma_semaphore, #tpu.memory_space<semaphore_mem>>) {add = true}
      %dma_wait3A_79 = arith.constant 0 : i32
      %dma_wait3A_80 = arith.constant 0 : i32
      %dma_wait3A_81 = tpu.memref_slice %arg6[%dma_wait3A_79, %dma_wait3A_80] : memref<10240x128xf32, #tpu.memory_space<vmem_shared>> -> memref<10240x128xf32, #tpu.memory_space<vmem_shared>>
      tpu.wait_indirect_dma semaphore(%run_scoped3A : memref<!tpu.dma_semaphore, #tpu.memory_space<semaphore_mem>>) src(%arg12 : memref<80x128xf32, #tpu.memory_space<vmem>>) dst(%dma_wait3A_81 : memref<10240x128xf32, #tpu.memory_space<vmem_shared>>)
      tpu.yield
    }) : () -> ()
    %mul3A_63 = arith.constant 10000 : i32
    %mul3A_64 = arith.muli %add3A, %mul3A_63 : i32
    %add3A_65 = arith.constant 9920 : i32
    %add3A_66 = arith.addi %mul3A_64, %add3A_65 : i32
    %dma_wait3A_67 = tpu.memref_slice %arg3[%add3A_66] : memref<320000xi32, #tpu.memory_space<hbm>> -> memref<80xi32, #tpu.memory_space<hbm>>
    %dma_wait3A_68 = tpu.memref_slice %arg3[%add3A_66] : memref<320000xi32, #tpu.memory_space<hbm>> -> memref<80xi32, #tpu.memory_space<hbm>>
    tpu.wait_dma2 semaphore(%arg11 : memref<!tpu.dma_semaphore, #tpu.memory_space<semaphore_mem>>) src(%dma_wait3A_68 : memref<80xi32, #tpu.memory_space<hbm>>) dst(%arg15 : memref<80xi32, #tpu.memory_space<vmem>>)
    %dma_wait3A_69 = tpu.memref_slice %arg4[%add3A_66] : memref<320000xi32, #tpu.memory_space<hbm>> -> memref<80xi32, #tpu.memory_space<hbm>>
    %dma_wait3A_70 = tpu.memref_slice %arg4[%add3A_66] : memref<320000xi32, #tpu.memory_space<hbm>> -> memref<80xi32, #tpu.memory_space<hbm>>
    tpu.wait_dma2 semaphore(%arg11 : memref<!tpu.dma_semaphore, #tpu.memory_space<semaphore_mem>>) src(%dma_wait3A_70 : memref<80xi32, #tpu.memory_space<hbm>>) dst(%arg8 : memref<80xi32, #tpu.memory_space<vmem>>)
    %barrier3A_71 = arith.constant 0 : index
    tpu.barrier barrier_id(%barrier3A_71)
    %mul3A_72 = arith.constant 640 : i32
    %mul3A_73 = arith.muli %arg1, %mul3A_72 : i32
    %mul3A_74 = arith.constant 640 : i32
    %mul3A_75 = arith.muli %arg1, %mul3A_74 : i32
    "tpu.region"() ({
      %run_scoped3A = tpu.sem_alloc : memref<!tpu.dma_semaphore, #tpu.memory_space<semaphore_mem>>
      %dma_start3A_76 = arith.constant 0 : i32
      %dma_start3A_77 = tpu.memref_slice %arg5[%arg0, %mul3A_75, %dma_start3A_76] : memref<2x10240x128xf32, #tpu.memory_space<hbm>> -> memref<1x640x128xf32, #tpu.memory_space<hbm>>
      %dma_start3A_78 = tpu.memref_squeeze %dma_start3A_77 : memref<1x640x128xf32, #tpu.memory_space<hbm>> -> memref<640x128xf32, #tpu.memory_space<hbm>>
      %dma_start3A_79 = arith.constant 0 : i32
      %dma_start3A_80 = tpu.memref_slice %arg6[%mul3A_73, %dma_start3A_79] : memref<10240x128xf32, #tpu.memory_space<vmem_shared>> -> memref<640x128xf32, #tpu.memory_space<vmem_shared>>
      tpu.enqueue_dma source(%dma_start3A_80 : memref<640x128xf32, #tpu.memory_space<vmem_shared>>) target(%dma_start3A_78 : memref<640x128xf32, #tpu.memory_space<hbm>>) target_semaphore(%run_scoped3A : memref<!tpu.dma_semaphore, #tpu.memory_space<semaphore_mem>>)
      %dma_wait3A_81 = arith.constant 0 : i32
      %dma_wait3A_82 = tpu.memref_slice %arg5[%arg0, %mul3A_75, %dma_wait3A_81] : memref<2x10240x128xf32, #tpu.memory_space<hbm>> -> memref<1x640x128xf32, #tpu.memory_space<hbm>>
      %dma_wait3A_83 = tpu.memref_squeeze %dma_wait3A_82 : memref<1x640x128xf32, #tpu.memory_space<hbm>> -> memref<640x128xf32, #tpu.memory_space<hbm>>
      %dma_wait3A_84 = arith.constant 0 : i32
      %dma_wait3A_85 = tpu.memref_slice %arg6[%mul3A_73, %dma_wait3A_84] : memref<10240x128xf32, #tpu.memory_space<vmem_shared>> -> memref<640x128xf32, #tpu.memory_space<vmem_shared>>
      tpu.wait_dma2 semaphore(%run_scoped3A : memref<!tpu.dma_semaphore, #tpu.memory_space<semaphore_mem>>) src(%dma_wait3A_85 : memref<640x128xf32, #tpu.memory_space<vmem_shared>>) dst(%dma_wait3A_83 : memref<640x128xf32, #tpu.memory_space<hbm>>)
      tpu.yield
    }) : () -> ()
    return
  }
}

#map = affine_map<(d0, d1) -> (0, 0)>
#map1 = affine_map<(d0, d1) -> (0)>
#map2 = affine_map<(d0, d1) -> (0, 0, 0)>
module attributes {stable_mosaic.version = 14 : i64} {
  func.func @_scatter_kernel(%arg0: i32, %arg1: i32, %arg2: memref<10000x128xf32, #tpu.memory_space<hbm>>, %arg3: memref<320000xi32, #tpu.memory_space<hbm>>, %arg4: memref<320000xi32, #tpu.memory_space<hbm>>, %arg5: memref<2x10240x128xf32, #tpu.memory_space<hbm>>, %arg6: memref<10240x128xf32, #tpu.memory_space<vmem_shared>>, %arg7: memref<80xi32, #tpu.memory_space<vmem>>, %arg8: memref<80xi32, #tpu.memory_space<vmem>>, %arg9: memref<!tpu.dma_semaphore, #tpu.memory_space<semaphore_mem>>, %arg10: memref<!tpu.dma_semaphore, #tpu.memory_space<semaphore_mem>>, %arg11: memref<!tpu.dma_semaphore, #tpu.memory_space<semaphore_mem>>, %arg12: memref<80x128xf32, #tpu.memory_space<vmem>>, %arg13: memref<80x128xf32, #tpu.memory_space<vmem>>, %arg14: memref<80xi32, #tpu.memory_space<vmem>>, %arg15: memref<80xi32, #tpu.memory_space<vmem>>) attributes {dimension_semantics = [#tpu.dimension_semantics<core_parallel>, #tpu.dimension_semantics<subcore_parallel>], iteration_bounds = array<i64: 2, 16>, scalar_prefetch = 0 : i64, scratch_operands = 10 : i64, tpu.core_type = #tpu.core_type<sc_vector_subcore>, window_params = [{transform_indices = #map}, {transform_indices = #map1}, {transform_indices = #map1}, {transform_indices = #map2}]} {
    %mul3A = arith.constant 2 : i32
    %mul3A_0 = arith.muli %arg1, %mul3A : i32
    %add3A = arith.addi %mul3A_0, %arg0 : i32
    %broadcast_in_dim3A = arith.constant 0.000000e+00 : f32
    %broadcast_in_dim3A_1 = vector.broadcast %broadcast_in_dim3A : f32 to vector<16xf32>
    %scan3A = arith.constant 0 : i32
    %scan3A_2 = arith.constant 0 : i32
    %scan3A_3 = arith.constant 640 : i32
    %scan3A_4 = arith.addi %scan3A_2, %scan3A_3 : i32
    %scan3A_5 = arith.constant 1 : i32
    %scan3A_6 = scf.for %scan3A_76 = %scan3A_2 to %scan3A_4 step %scan3A_5 iter_args(%scan3A_77 = %scan3A) -> (i32)  : i32 {
      %jit3A = arith.constant 8 : i32
      %div3A = arith.divsi %scan3A_76, %jit3A : i32
      %sign3A = arith.constant 0 : i32
      %sign3A_78 = arith.cmpi sgt, %scan3A_76, %sign3A : i32
      %sign3A_79 = arith.extui %sign3A_78 : i1 to i32
      %sign3A_80 = arith.constant 0 : i32
      %sign3A_81 = arith.cmpi slt, %scan3A_76, %sign3A_80 : i32
      %sign3A_82 = arith.extui %sign3A_81 : i1 to i32
      %sign3A_83 = arith.subi %sign3A_79, %sign3A_82 : i32
      %sign3A_84 = arith.constant 0 : i32
      %sign3A_85 = arith.cmpi sgt, %jit3A, %sign3A_84 : i32
      %sign3A_86 = arith.extui %sign3A_85 : i1 to i32
      %sign3A_87 = arith.constant 0 : i32
      %sign3A_88 = arith.cmpi slt, %jit3A, %sign3A_87 : i32
      %sign3A_89 = arith.extui %sign3A_88 : i1 to i32
      %sign3A_90 = arith.subi %sign3A_86, %sign3A_89 : i32
      %ne3A = arith.cmpi ne, %sign3A_83, %sign3A_90 : i32
      %rem3A = arith.remsi %scan3A_76, %jit3A : i32
      %ne3A_91 = arith.constant 0 : i32
      %ne3A_92 = arith.cmpi ne, %rem3A, %ne3A_91 : i32
      %and3A = arith.andi %ne3A, %ne3A_92 : i1
      %sub3A = arith.constant 1 : i32
      %sub3A_93 = arith.subi %div3A, %sub3A : i32
      %select_n3A = arith.select %and3A, %sub3A_93, %div3A : i32
      %mul3A_94 = arith.constant 8 : i32
      %mul3A_95 = arith.muli %select_n3A, %mul3A_94 : i32
      %sub3A_96 = arith.subi %scan3A_76, %mul3A_95 : i32
      %mul3A_97 = arith.constant 16 : i32
      %mul3A_98 = arith.muli %sub3A_96, %mul3A_97 : i32
      %swap3A = arith.index_cast %select_n3A : i32 to index
      %swap3A_99 = arith.index_cast %mul3A_98 : i32 to index
      %swap3A_100 = tpu.vector_load %arg12[%swap3A, %swap3A_99] {strides = array<i32>} : memref<80x128xf32, #tpu.memory_space<vmem>>, vector<1x16xf32>,
      %swap3A_101 = vector.shape_cast %swap3A_100 : vector<1x16xf32> to vector<16xf32>
      %swap3A_102 = vector.shape_cast %broadcast_in_dim3A_1 : vector<16xf32> to vector<1x16xf32>
      tpu.vector_store %arg12[%swap3A, %swap3A_99], %swap3A_102 {strides = array<i32>} : memref<80x128xf32, #tpu.memory_space<vmem>>, vector<1x16xf32>,
      %scan3A_103 = arith.constant 0 : i32
      scf.yield %scan3A_103 : i32
    }
    %scan3A_7 = arith.constant 640 : i32
    %mul3A_8 = arith.constant 640 : i32
    %mul3A_9 = arith.muli %arg1, %mul3A_8 : i32
    %add3A_10 = arith.constant 0 : i32
    %add3A_11 = arith.addi %mul3A_9, %add3A_10 : i32
    "tpu.region"() ({
      %run_scoped3A = tpu.sem_alloc : memref<!tpu.dma_semaphore, #tpu.memory_space<semaphore_mem>>
      %dma_start3A_76 = arith.constant 0 : i32
      %dma_start3A_77 = tpu.memref_slice %arg6[%add3A_11, %dma_start3A_76] : memref<10240x128xf32, #tpu.memory_space<vmem_shared>> -> memref<80x128xf32, #tpu.memory_space<vmem_shared>>
      %dma_start3A_78 = arith.constant 0 : i32
      %dma_start3A_79 = tpu.memref_slice %arg6[%add3A_11, %dma_start3A_78] : memref<10240x128xf32, #tpu.memory_space<vmem_shared>> -> memref<80x128xf32, #tpu.memory_space<vmem_shared>>
      tpu.enqueue_dma source(%arg12 : memref<80x128xf32, #tpu.memory_space<vmem>>) target(%dma_start3A_79 : memref<80x128xf32, #tpu.memory_space<vmem_shared>>) target_semaphore(%run_scoped3A : memref<!tpu.dma_semaphore, #tpu.memory_space<semaphore_mem>>)
      %dma_wait3A_80 = arith.constant 0 : i32
      %dma_wait3A_81 = tpu.memref_slice %arg6[%add3A_11, %dma_wait3A_80] : memref<10240x128xf32, #tpu.memory_space<vmem_shared>> -> memref<80x128xf32, #tpu.memory_space<vmem_shared>>
      %dma_wait3A_82 = arith.constant 0 : i32
      %dma_wait3A_83 = tpu.memref_slice %arg6[%add3A_11, %dma_wait3A_82] : memref<10240x128xf32, #tpu.memory_space<vmem_shared>> -> memref<80x128xf32, #tpu.memory_space<vmem_shared>>
      tpu.wait_dma2 semaphore(%run_scoped3A : memref<!tpu.dma_semaphore, #tpu.memory_space<semaphore_mem>>) src(%arg12 : memref<80x128xf32, #tpu.memory_space<vmem>>) dst(%dma_wait3A_83 : memref<80x128xf32, #tpu.memory_space<vmem_shared>>)
      tpu.yield
    }) : () -> ()
    %mul3A_12 = arith.constant 640 : i32
    %mul3A_13 = arith.muli %arg1, %mul3A_12 : i32
    %add3A_14 = arith.constant 80 : i32
    %add3A_15 = arith.addi %mul3A_13, %add3A_14 : i32
    "tpu.region"() ({
      %run_scoped3A = tpu.sem_alloc : memref<!tpu.dma_semaphore, #tpu.memory_space<semaphore_mem>>
      %dma_start3A_76 = arith.constant 0 : i32
      %dma_start3A_77 = tpu.memref_slice %arg6[%add3A_15, %dma_start3A_76] : memref<10240x128xf32, #tpu.memory_space<vmem_shared>> -> memref<80x128xf32, #tpu.memory_space<vmem_shared>>
      %dma_start3A_78 = arith.constant 0 : i32
      %dma_start3A_79 = tpu.memref_slice %arg6[%add3A_15, %dma_start3A_78] : memref<10240x128xf32, #tpu.memory_space<vmem_shared>> -> memref<80x128xf32, #tpu.memory_space<vmem_shared>>
      tpu.enqueue_dma source(%arg12 : memref<80x128xf32, #tpu.memory_space<vmem>>) target(%dma_start3A_79 : memref<80x128xf32, #tpu.memory_space<vmem_shared>>) target_semaphore(%run_scoped3A : memref<!tpu.dma_semaphore, #tpu.memory_space<semaphore_mem>>)
      %dma_wait3A_80 = arith.constant 0 : i32
      %dma_wait3A_81 = tpu.memref_slice %arg6[%add3A_15, %dma_wait3A_80] : memref<10240x128xf32, #tpu.memory_space<vmem_shared>> -> memref<80x128xf32, #tpu.memory_space<vmem_shared>>
      %dma_wait3A_82 = arith.constant 0 : i32
      %dma_wait3A_83 = tpu.memref_slice %arg6[%add3A_15, %dma_wait3A_82] : memref<10240x128xf32, #tpu.memory_space<vmem_shared>> -> memref<80x128xf32, #tpu.memory_space<vmem_shared>>
      tpu.wait_dma2 semaphore(%run_scoped3A : memref<!tpu.dma_semaphore, #tpu.memory_space<semaphore_mem>>) src(%arg12 : memref<80x128xf32, #tpu.memory_space<vmem>>) dst(%dma_wait3A_83 : memref<80x128xf32, #tpu.memory_space<vmem_shared>>)
      tpu.yield
    }) : () -> ()
    %mul3A_16 = arith.constant 640 : i32
    %mul3A_17 = arith.muli %arg1, %mul3A_16 : i32
    %add3A_18 = arith.constant 160 : i32
    %add3A_19 = arith.addi %mul3A_17, %add3A_18 : i32
    "tpu.region"() ({
      %run_scoped3A = tpu.sem_alloc : memref<!tpu.dma_semaphore, #tpu.memory_space<semaphore_mem>>
      %dma_start3A_76 = arith.constant 0 : i32
      %dma_start3A_77 = tpu.memref_slice %arg6[%add3A_19, %dma_start3A_76] : memref<10240x128xf32, #tpu.memory_space<vmem_shared>> -> memref<80x128xf32, #tpu.memory_space<vmem_shared>>
      %dma_start3A_78 = arith.constant 0 : i32
      %dma_start3A_79 = tpu.memref_slice %arg6[%add3A_19, %dma_start3A_78] : memref<10240x128xf32, #tpu.memory_space<vmem_shared>> -> memref<80x128xf32, #tpu.memory_space<vmem_shared>>
      tpu.enqueue_dma source(%arg12 : memref<80x128xf32, #tpu.memory_space<vmem>>) target(%dma_start3A_79 : memref<80x128xf32, #tpu.memory_space<vmem_shared>>) target_semaphore(%run_scoped3A : memref<!tpu.dma_semaphore, #tpu.memory_space<semaphore_mem>>)
      %dma_wait3A_80 = arith.constant 0 : i32
      %dma_wait3A_81 = tpu.memref_slice %arg6[%add3A_19, %dma_wait3A_80] : memref<10240x128xf32, #tpu.memory_space<vmem_shared>> -> memref<80x128xf32, #tpu.memory_space<vmem_shared>>
      %dma_wait3A_82 = arith.constant 0 : i32
      %dma_wait3A_83 = tpu.memref_slice %arg6[%add3A_19, %dma_wait3A_82] : memref<10240x128xf32, #tpu.memory_space<vmem_shared>> -> memref<80x128xf32, #tpu.memory_space<vmem_shared>>
      tpu.wait_dma2 semaphore(%run_scoped3A : memref<!tpu.dma_semaphore, #tpu.memory_space<semaphore_mem>>) src(%arg12 : memref<80x128xf32, #tpu.memory_space<vmem>>) dst(%dma_wait3A_83 : memref<80x128xf32, #tpu.memory_space<vmem_shared>>)
      tpu.yield
    }) : () -> ()
    %mul3A_20 = arith.constant 640 : i32
    %mul3A_21 = arith.muli %arg1, %mul3A_20 : i32
    %add3A_22 = arith.constant 240 : i32
    %add3A_23 = arith.addi %mul3A_21, %add3A_22 : i32
    "tpu.region"() ({
      %run_scoped3A = tpu.sem_alloc : memref<!tpu.dma_semaphore, #tpu.memory_space<semaphore_mem>>
      %dma_start3A_76 = arith.constant 0 : i32
      %dma_start3A_77 = tpu.memref_slice %arg6[%add3A_23, %dma_start3A_76] : memref<10240x128xf32, #tpu.memory_space<vmem_shared>> -> memref<80x128xf32, #tpu.memory_space<vmem_shared>>
      %dma_start3A_78 = arith.constant 0 : i32
      %dma_start3A_79 = tpu.memref_slice %arg6[%add3A_23, %dma_start3A_78] : memref<10240x128xf32, #tpu.memory_space<vmem_shared>> -> memref<80x128xf32, #tpu.memory_space<vmem_shared>>
      tpu.enqueue_dma source(%arg12 : memref<80x128xf32, #tpu.memory_space<vmem>>) target(%dma_start3A_79 : memref<80x128xf32, #tpu.memory_space<vmem_shared>>) target_semaphore(%run_scoped3A : memref<!tpu.dma_semaphore, #tpu.memory_space<semaphore_mem>>)
      %dma_wait3A_80 = arith.constant 0 : i32
      %dma_wait3A_81 = tpu.memref_slice %arg6[%add3A_23, %dma_wait3A_80] : memref<10240x128xf32, #tpu.memory_space<vmem_shared>> -> memref<80x128xf32, #tpu.memory_space<vmem_shared>>
      %dma_wait3A_82 = arith.constant 0 : i32
      %dma_wait3A_83 = tpu.memref_slice %arg6[%add3A_23, %dma_wait3A_82] : memref<10240x128xf32, #tpu.memory_space<vmem_shared>> -> memref<80x128xf32, #tpu.memory_space<vmem_shared>>
      tpu.wait_dma2 semaphore(%run_scoped3A : memref<!tpu.dma_semaphore, #tpu.memory_space<semaphore_mem>>) src(%arg12 : memref<80x128xf32, #tpu.memory_space<vmem>>) dst(%dma_wait3A_83 : memref<80x128xf32, #tpu.memory_space<vmem_shared>>)
      tpu.yield
    }) : () -> ()
    %mul3A_24 = arith.constant 640 : i32
    %mul3A_25 = arith.muli %arg1, %mul3A_24 : i32
    %add3A_26 = arith.constant 320 : i32
    %add3A_27 = arith.addi %mul3A_25, %add3A_26 : i32
    "tpu.region"() ({
      %run_scoped3A = tpu.sem_alloc : memref<!tpu.dma_semaphore, #tpu.memory_space<semaphore_mem>>
      %dma_start3A_76 = arith.constant 0 : i32
      %dma_start3A_77 = tpu.memref_slice %arg6[%add3A_27, %dma_start3A_76] : memref<10240x128xf32, #tpu.memory_space<vmem_shared>> -> memref<80x128xf32, #tpu.memory_space<vmem_shared>>
      %dma_start3A_78 = arith.constant 0 : i32
      %dma_start3A_79 = tpu.memref_slice %arg6[%add3A_27, %dma_start3A_78] : memref<10240x128xf32, #tpu.memory_space<vmem_shared>> -> memref<80x128xf32, #tpu.memory_space<vmem_shared>>
      tpu.enqueue_dma source(%arg12 : memref<80x128xf32, #tpu.memory_space<vmem>>) target(%dma_start3A_79 : memref<80x128xf32, #tpu.memory_space<vmem_shared>>) target_semaphore(%run_scoped3A : memref<!tpu.dma_semaphore, #tpu.memory_space<semaphore_mem>>)
      %dma_wait3A_80 = arith.constant 0 : i32
      %dma_wait3A_81 = tpu.memref_slice %arg6[%add3A_27, %dma_wait3A_80] : memref<10240x128xf32, #tpu.memory_space<vmem_shared>> -> memref<80x128xf32, #tpu.memory_space<vmem_shared>>
      %dma_wait3A_82 = arith.constant 0 : i32
      %dma_wait3A_83 = tpu.memref_slice %arg6[%add3A_27, %dma_wait3A_82] : memref<10240x128xf32, #tpu.memory_space<vmem_shared>> -> memref<80x128xf32, #tpu.memory_space<vmem_shared>>
      tpu.wait_dma2 semaphore(%run_scoped3A : memref<!tpu.dma_semaphore, #tpu.memory_space<semaphore_mem>>) src(%arg12 : memref<80x128xf32, #tpu.memory_space<vmem>>) dst(%dma_wait3A_83 : memref<80x128xf32, #tpu.memory_space<vmem_shared>>)
      tpu.yield
    }) : () -> ()
    %mul3A_28 = arith.constant 640 : i32
    %mul3A_29 = arith.muli %arg1, %mul3A_28 : i32
    %add3A_30 = arith.constant 400 : i32
    %add3A_31 = arith.addi %mul3A_29, %add3A_30 : i32
    "tpu.region"() ({
      %run_scoped3A = tpu.sem_alloc : memref<!tpu.dma_semaphore, #tpu.memory_space<semaphore_mem>>
      %dma_start3A_76 = arith.constant 0 : i32
      %dma_start3A_77 = tpu.memref_slice %arg6[%add3A_31, %dma_start3A_76] : memref<10240x128xf32, #tpu.memory_space<vmem_shared>> -> memref<80x128xf32, #tpu.memory_space<vmem_shared>>
      %dma_start3A_78 = arith.constant 0 : i32
      %dma_start3A_79 = tpu.memref_slice %arg6[%add3A_31, %dma_start3A_78] : memref<10240x128xf32, #tpu.memory_space<vmem_shared>> -> memref<80x128xf32, #tpu.memory_space<vmem_shared>>
      tpu.enqueue_dma source(%arg12 : memref<80x128xf32, #tpu.memory_space<vmem>>) target(%dma_start3A_79 : memref<80x128xf32, #tpu.memory_space<vmem_shared>>) target_semaphore(%run_scoped3A : memref<!tpu.dma_semaphore, #tpu.memory_space<semaphore_mem>>)
      %dma_wait3A_80 = arith.constant 0 : i32
      %dma_wait3A_81 = tpu.memref_slice %arg6[%add3A_31, %dma_wait3A_80] : memref<10240x128xf32, #tpu.memory_space<vmem_shared>> -> memref<80x128xf32, #tpu.memory_space<vmem_shared>>
      %dma_wait3A_82 = arith.constant 0 : i32
      %dma_wait3A_83 = tpu.memref_slice %arg6[%add3A_31, %dma_wait3A_82] : memref<10240x128xf32, #tpu.memory_space<vmem_shared>> -> memref<80x128xf32, #tpu.memory_space<vmem_shared>>
      tpu.wait_dma2 semaphore(%run_scoped3A : memref<!tpu.dma_semaphore, #tpu.memory_space<semaphore_mem>>) src(%arg12 : memref<80x128xf32, #tpu.memory_space<vmem>>) dst(%dma_wait3A_83 : memref<80x128xf32, #tpu.memory_space<vmem_shared>>)
      tpu.yield
    }) : () -> ()
    %mul3A_32 = arith.constant 640 : i32
    %mul3A_33 = arith.muli %arg1, %mul3A_32 : i32
    %add3A_34 = arith.constant 480 : i32
    %add3A_35 = arith.addi %mul3A_33, %add3A_34 : i32
    "tpu.region"() ({
      %run_scoped3A = tpu.sem_alloc : memref<!tpu.dma_semaphore, #tpu.memory_space<semaphore_mem>>
      %dma_start3A_76 = arith.constant 0 : i32
      %dma_start3A_77 = tpu.memref_slice %arg6[%add3A_35, %dma_start3A_76] : memref<10240x128xf32, #tpu.memory_space<vmem_shared>> -> memref<80x128xf32, #tpu.memory_space<vmem_shared>>
      %dma_start3A_78 = arith.constant 0 : i32
      %dma_start3A_79 = tpu.memref_slice %arg6[%add3A_35, %dma_start3A_78] : memref<10240x128xf32, #tpu.memory_space<vmem_shared>> -> memref<80x128xf32, #tpu.memory_space<vmem_shared>>
      tpu.enqueue_dma source(%arg12 : memref<80x128xf32, #tpu.memory_space<vmem>>) target(%dma_start3A_79 : memref<80x128xf32, #tpu.memory_space<vmem_shared>>) target_semaphore(%run_scoped3A : memref<!tpu.dma_semaphore, #tpu.memory_space<semaphore_mem>>)
      %dma_wait3A_80 = arith.constant 0 : i32
      %dma_wait3A_81 = tpu.memref_slice %arg6[%add3A_35, %dma_wait3A_80] : memref<10240x128xf32, #tpu.memory_space<vmem_shared>> -> memref<80x128xf32, #tpu.memory_space<vmem_shared>>
      %dma_wait3A_82 = arith.constant 0 : i32
      %dma_wait3A_83 = tpu.memref_slice %arg6[%add3A_35, %dma_wait3A_82] : memref<10240x128xf32, #tpu.memory_space<vmem_shared>> -> memref<80x128xf32, #tpu.memory_space<vmem_shared>>
      tpu.wait_dma2 semaphore(%run_scoped3A : memref<!tpu.dma_semaphore, #tpu.memory_space<semaphore_mem>>) src(%arg12 : memref<80x128xf32, #tpu.memory_space<vmem>>) dst(%dma_wait3A_83 : memref<80x128xf32, #tpu.memory_space<vmem_shared>>)
      tpu.yield
    }) : () -> ()
    %mul3A_36 = arith.constant 640 : i32
    %mul3A_37 = arith.muli %arg1, %mul3A_36 : i32
    %add3A_38 = arith.constant 560 : i32
    %add3A_39 = arith.addi %mul3A_37, %add3A_38 : i32
    "tpu.region"() ({
      %run_scoped3A = tpu.sem_alloc : memref<!tpu.dma_semaphore, #tpu.memory_space<semaphore_mem>>
      %dma_start3A_76 = arith.constant 0 : i32
      %dma_start3A_77 = tpu.memref_slice %arg6[%add3A_39, %dma_start3A_76] : memref<10240x128xf32, #tpu.memory_space<vmem_shared>> -> memref<80x128xf32, #tpu.memory_space<vmem_shared>>
      %dma_start3A_78 = arith.constant 0 : i32
      %dma_start3A_79 = tpu.memref_slice %arg6[%add3A_39, %dma_start3A_78] : memref<10240x128xf32, #tpu.memory_space<vmem_shared>> -> memref<80x128xf32, #tpu.memory_space<vmem_shared>>
      tpu.enqueue_dma source(%arg12 : memref<80x128xf32, #tpu.memory_space<vmem>>) target(%dma_start3A_79 : memref<80x128xf32, #tpu.memory_space<vmem_shared>>) target_semaphore(%run_scoped3A : memref<!tpu.dma_semaphore, #tpu.memory_space<semaphore_mem>>)
      %dma_wait3A_80 = arith.constant 0 : i32
      %dma_wait3A_81 = tpu.memref_slice %arg6[%add3A_39, %dma_wait3A_80] : memref<10240x128xf32, #tpu.memory_space<vmem_shared>> -> memref<80x128xf32, #tpu.memory_space<vmem_shared>>
      %dma_wait3A_82 = arith.constant 0 : i32
      %dma_wait3A_83 = tpu.memref_slice %arg6[%add3A_39, %dma_wait3A_82] : memref<10240x128xf32, #tpu.memory_space<vmem_shared>> -> memref<80x128xf32, #tpu.memory_space<vmem_shared>>
      tpu.wait_dma2 semaphore(%run_scoped3A : memref<!tpu.dma_semaphore, #tpu.memory_space<semaphore_mem>>) src(%arg12 : memref<80x128xf32, #tpu.memory_space<vmem>>) dst(%dma_wait3A_83 : memref<80x128xf32, #tpu.memory_space<vmem_shared>>)
      tpu.yield
    }) : () -> ()
    %mul3A_40 = arith.constant 10000 : i32
    %mul3A_41 = arith.muli %add3A, %mul3A_40 : i32
    "tpu.region"() ({
      %run_scoped3A = tpu.sem_alloc : memref<!tpu.dma_semaphore, #tpu.memory_space<semaphore_mem>>
      %dma_start3A_76 = tpu.memref_slice %arg3[%mul3A_41] : memref<320000xi32, #tpu.memory_space<hbm>> -> memref<80xi32, #tpu.memory_space<hbm>>
      %dma_start3A_77 = tpu.memref_slice %arg3[%mul3A_41] : memref<320000xi32, #tpu.memory_space<hbm>> -> memref<80xi32, #tpu.memory_space<hbm>>
      tpu.enqueue_dma source(%dma_start3A_77 : memref<80xi32, #tpu.memory_space<hbm>>) target(%arg14 : memref<80xi32, #tpu.memory_space<vmem>>) target_semaphore(%run_scoped3A : memref<!tpu.dma_semaphore, #tpu.memory_space<semaphore_mem>>)
      %dma_wait3A_78 = tpu.memref_slice %arg3[%mul3A_41] : memref<320000xi32, #tpu.memory_space<hbm>> -> memref<80xi32, #tpu.memory_space<hbm>>
      %dma_wait3A_79 = tpu.memref_slice %arg3[%mul3A_41] : memref<320000xi32, #tpu.memory_space<hbm>> -> memref<80xi32, #tpu.memory_space<hbm>>
      tpu.wait_dma2 semaphore(%run_scoped3A : memref<!tpu.dma_semaphore, #tpu.memory_space<semaphore_mem>>) src(%dma_wait3A_79 : memref<80xi32, #tpu.memory_space<hbm>>) dst(%arg14 : memref<80xi32, #tpu.memory_space<vmem>>)
      tpu.yield
    }) : () -> ()
    %mul3A_42 = arith.constant 10000 : i32
    %mul3A_43 = arith.muli %add3A, %mul3A_42 : i32
    "tpu.region"() ({
      %run_scoped3A = tpu.sem_alloc : memref<!tpu.dma_semaphore, #tpu.memory_space<semaphore_mem>>
      %dma_start3A_76 = tpu.memref_slice %arg4[%mul3A_43] : memref<320000xi32, #tpu.memory_space<hbm>> -> memref<80xi32, #tpu.memory_space<hbm>>
      %dma_start3A_77 = tpu.memref_slice %arg4[%mul3A_43] : memref<320000xi32, #tpu.memory_space<hbm>> -> memref<80xi32, #tpu.memory_space<hbm>>
      tpu.enqueue_dma source(%dma_start3A_77 : memref<80xi32, #tpu.memory_space<hbm>>) target(%arg7 : memref<80xi32, #tpu.memory_space<vmem>>) target_semaphore(%run_scoped3A : memref<!tpu.dma_semaphore, #tpu.memory_space<semaphore_mem>>)
      %dma_wait3A_78 = tpu.memref_slice %arg4[%mul3A_43] : memref<320000xi32, #tpu.memory_space<hbm>> -> memref<80xi32, #tpu.memory_space<hbm>>
      %dma_wait3A_79 = tpu.memref_slice %arg4[%mul3A_43] : memref<320000xi32, #tpu.memory_space<hbm>> -> memref<80xi32, #tpu.memory_space<hbm>>
      tpu.wait_dma2 semaphore(%run_scoped3A : memref<!tpu.dma_semaphore, #tpu.memory_space<semaphore_mem>>) src(%dma_wait3A_79 : memref<80xi32, #tpu.memory_space<hbm>>) dst(%arg7 : memref<80xi32, #tpu.memory_space<vmem>>)
      tpu.yield
    }) : () -> ()
    %barrier3A = arith.constant 0 : index
    tpu.barrier barrier_id(%barrier3A)
    %dma_start3A = arith.constant 0 : i32
    %dma_start3A_44 = arith.constant 0 : i32
    %dma_start3A_45 = tpu.memref_slice %arg2[%dma_start3A, %dma_start3A_44] : memref<10000x128xf32, #tpu.memory_space<hbm>> -> memref<10000x128xf32, #tpu.memory_space<hbm>>
    tpu.enqueue_indirect_dma source(%dma_start3A_45 : memref<10000x128xf32, #tpu.memory_space<hbm>>) target(%arg12 : memref<80x128xf32, #tpu.memory_space<vmem>>) offsets(%arg14 : memref<80xi32, #tpu.memory_space<vmem>>) semaphore(%arg9 : memref<!tpu.dma_semaphore, #tpu.memory_space<semaphore_mem>>)
    %mul3A_46 = arith.constant 10000 : i32
    %mul3A_47 = arith.muli %add3A, %mul3A_46 : i32
    %add3A_48 = arith.constant 80 : i32
    %add3A_49 = arith.addi %mul3A_47, %add3A_48 : i32
    %dma_start3A_50 = tpu.memref_slice %arg3[%add3A_49] : memref<320000xi32, #tpu.memory_space<hbm>> -> memref<80xi32, #tpu.memory_space<hbm>>
    %dma_start3A_51 = tpu.memref_slice %arg3[%add3A_49] : memref<320000xi32, #tpu.memory_space<hbm>> -> memref<80xi32, #tpu.memory_space<hbm>>
    tpu.enqueue_dma source(%dma_start3A_51 : memref<80xi32, #tpu.memory_space<hbm>>) target(%arg15 : memref<80xi32, #tpu.memory_space<vmem>>) target_semaphore(%arg11 : memref<!tpu.dma_semaphore, #tpu.memory_space<semaphore_mem>>)
    %dma_start3A_52 = tpu.memref_slice %arg4[%add3A_49] : memref<320000xi32, #tpu.memory_space<hbm>> -> memref<80xi32, #tpu.memory_space<hbm>>
    %dma_start3A_53 = tpu.memref_slice %arg4[%add3A_49] : memref<320000xi32, #tpu.memory_space<hbm>> -> memref<80xi32, #tpu.memory_space<hbm>>
    tpu.enqueue_dma source(%dma_start3A_53 : memref<80xi32, #tpu.memory_space<hbm>>) target(%arg8 : memref<80xi32, #tpu.memory_space<vmem>>) target_semaphore(%arg11 : memref<!tpu.dma_semaphore, #tpu.memory_space<semaphore_mem>>)
    %scan3A_54 = arith.constant 0 : i32
    %scan3A_55 = arith.constant 0 : i32
    %scan3A_56 = arith.constant 62 : i32
    %scan3A_57 = arith.addi %scan3A_55, %scan3A_56 : i32
    %scan3A_58 = arith.constant 1 : i32
    %scan3A_59 = scf.for %scan3A_76 = %scan3A_55 to %scan3A_57 step %scan3A_58 iter_args(%scan3A_77 = %scan3A_54) -> (i32)  : i32 {
      %mul3A_78 = arith.constant 2 : i32
      %mul3A_79 = arith.muli %mul3A_78, %scan3A_76 : i32
      %add3A_80 = arith.constant 1 : i32
      %add3A_81 = arith.addi %mul3A_79, %add3A_80 : i32
      %mul3A_82 = arith.constant 10000 : i32
      %mul3A_83 = arith.muli %add3A, %mul3A_82 : i32
      %mul3A_84 = arith.constant 80 : i32
      %mul3A_85 = arith.muli %add3A_81, %mul3A_84 : i32
      %add3A_86 = arith.addi %mul3A_83, %mul3A_85 : i32
      %dma_wait3A_87 = tpu.memref_slice %arg3[%add3A_86] : memref<320000xi32, #tpu.memory_space<hbm>> -> memref<80xi32, #tpu.memory_space<hbm>>
      %dma_wait3A_88 = tpu.memref_slice %arg3[%add3A_86] : memref<320000xi32, #tpu.memory_space<hbm>> -> memref<80xi32, #tpu.memory_space<hbm>>
      tpu.wait_dma2 semaphore(%arg11 : memref<!tpu.dma_semaphore, #tpu.memory_space<semaphore_mem>>) src(%dma_wait3A_88 : memref<80xi32, #tpu.memory_space<hbm>>) dst(%arg15 : memref<80xi32, #tpu.memory_space<vmem>>)
      %dma_wait3A_89 = tpu.memref_slice %arg4[%add3A_86] : memref<320000xi32, #tpu.memory_space<hbm>> -> memref<80xi32, #tpu.memory_space<hbm>>
      %dma_wait3A_90 = tpu.memref_slice %arg4[%add3A_86] : memref<320000xi32, #tpu.memory_space<hbm>> -> memref<80xi32, #tpu.memory_space<hbm>>
      tpu.wait_dma2 semaphore(%arg11 : memref<!tpu.dma_semaphore, #tpu.memory_space<semaphore_mem>>) src(%dma_wait3A_90 : memref<80xi32, #tpu.memory_space<hbm>>) dst(%arg8 : memref<80xi32, #tpu.memory_space<vmem>>)
      %dma_start3A_91 = arith.constant 0 : i32
      %dma_start3A_92 = arith.constant 0 : i32
      %dma_start3A_93 = tpu.memref_slice %arg2[%dma_start3A_91, %dma_start3A_92] : memref<10000x128xf32, #tpu.memory_space<hbm>> -> memref<10000x128xf32, #tpu.memory_space<hbm>>
      tpu.enqueue_indirect_dma source(%dma_start3A_93 : memref<10000x128xf32, #tpu.memory_space<hbm>>) target(%arg13 : memref<80x128xf32, #tpu.memory_space<vmem>>) offsets(%arg15 : memref<80xi32, #tpu.memory_space<vmem>>) semaphore(%arg10 : memref<!tpu.dma_semaphore, #tpu.memory_space<semaphore_mem>>)
      %dma_wait3A_94 = arith.constant 0 : i32
      %dma_wait3A_95 = arith.constant 0 : i32
      %dma_wait3A_96 = tpu.memref_slice %arg2[%dma_wait3A_94, %dma_wait3A_95] : memref<10000x128xf32, #tpu.memory_space<hbm>> -> memref<10000x128xf32, #tpu.memory_space<hbm>>
      tpu.wait_indirect_dma semaphore(%arg9 : memref<!tpu.dma_semaphore, #tpu.memory_space<semaphore_mem>>) src(%dma_wait3A_96 : memref<10000x128xf32, #tpu.memory_space<hbm>>) dst(%arg12 : memref<80x128xf32, #tpu.memory_space<vmem>>)
      "tpu.region"() ({
        %run_scoped3A = tpu.sem_alloc : memref<!tpu.dma_semaphore, #tpu.memory_space<semaphore_mem>>
        %dma_start3A_138 = arith.constant 0 : i32
        %dma_start3A_139 = arith.constant 0 : i32
        %dma_start3A_140 = tpu.memref_slice %arg6[%dma_start3A_138, %dma_start3A_139] : memref<10240x128xf32, #tpu.memory_space<vmem_shared>> -> memref<10240x128xf32, #tpu.memory_space<vmem_shared>>
        tpu.enqueue_indirect_dma source(%arg12 : memref<80x128xf32, #tpu.memory_space<vmem>>) target(%dma_start3A_140 : memref<10240x128xf32, #tpu.memory_space<vmem_shared>>) offsets(%arg7 : memref<80xi32, #tpu.memory_space<vmem>>) semaphore(%run_scoped3A : memref<!tpu.dma_semaphore, #tpu.memory_space<semaphore_mem>>) {add = true}
        %dma_wait3A_141 = arith.constant 0 : i32
        %dma_wait3A_142 = arith.constant 0 : i32
        %dma_wait3A_143 = tpu.memref_slice %arg6[%dma_wait3A_141, %dma_wait3A_142] : memref<10240x128xf32, #tpu.memory_space<vmem_shared>> -> memref<10240x128xf32, #tpu.memory_space<vmem_shared>>
        tpu.wait_indirect_dma semaphore(%run_scoped3A : memref<!tpu.dma_semaphore, #tpu.memory_space<semaphore_mem>>) src(%arg12 : memref<80x128xf32, #tpu.memory_space<vmem>>) dst(%dma_wait3A_143 : memref<10240x128xf32, #tpu.memory_space<vmem_shared>>)
        tpu.yield
      }) : () -> ()
      %add3A_97 = arith.constant 2 : i32
      %add3A_98 = arith.addi %mul3A_79, %add3A_97 : i32
      %mul3A_99 = arith.constant 10000 : i32
      %mul3A_100 = arith.muli %add3A, %mul3A_99 : i32
      %mul3A_101 = arith.constant 80 : i32
      %mul3A_102 = arith.muli %add3A_98, %mul3A_101 : i32
      %add3A_103 = arith.addi %mul3A_100, %mul3A_102 : i32
      %dma_start3A_104 = tpu.memref_slice %arg3[%add3A_103] : memref<320000xi32, #tpu.memory_space<hbm>> -> memref<80xi32, #tpu.memory_space<hbm>>
      %dma_start3A_105 = tpu.memref_slice %arg3[%add3A_103] : memref<320000xi32, #tpu.memory_space<hbm>> -> memref<80xi32, #tpu.memory_space<hbm>>
      tpu.enqueue_dma source(%dma_start3A_105 : memref<80xi32, #tpu.memory_space<hbm>>) target(%arg14 : memref<80xi32, #tpu.memory_space<vmem>>) target_semaphore(%arg11 : memref<!tpu.dma_semaphore, #tpu.memory_space<semaphore_mem>>)
      %dma_start3A_106 = tpu.memref_slice %arg4[%add3A_103] : memref<320000xi32, #tpu.memory_space<hbm>> -> memref<80xi32, #tpu.memory_space<hbm>>
      %dma_start3A_107 = tpu.memref_slice %arg4[%add3A_103] : memref<320000xi32, #tpu.memory_space<hbm>> -> memref<80xi32, #tpu.memory_space<hbm>>
      tpu.enqueue_dma source(%dma_start3A_107 : memref<80xi32, #tpu.memory_space<hbm>>) target(%arg7 : memref<80xi32, #tpu.memory_space<vmem>>) target_semaphore(%arg11 : memref<!tpu.dma_semaphore, #tpu.memory_space<semaphore_mem>>)
      %add3A_108 = arith.constant 2 : i32
      %add3A_109 = arith.addi %mul3A_79, %add3A_108 : i32
      %mul3A_110 = arith.constant 10000 : i32
      %mul3A_111 = arith.muli %add3A, %mul3A_110 : i32
      %mul3A_112 = arith.constant 80 : i32
      %mul3A_113 = arith.muli %add3A_109, %mul3A_112 : i32
      %add3A_114 = arith.addi %mul3A_111, %mul3A_113 : i32
      %dma_wait3A_115 = tpu.memref_slice %arg3[%add3A_114] : memref<320000xi32, #tpu.memory_space<hbm>> -> memref<80xi32, #tpu.memory_space<hbm>>
      %dma_wait3A_116 = tpu.memref_slice %arg3[%add3A_114] : memref<320000xi32, #tpu.memory_space<hbm>> -> memref<80xi32, #tpu.memory_space<hbm>>
      tpu.wait_dma2 semaphore(%arg11 : memref<!tpu.dma_semaphore, #tpu.memory_space<semaphore_mem>>) src(%dma_wait3A_116 : memref<80xi32, #tpu.memory_space<hbm>>) dst(%arg14 : memref<80xi32, #tpu.memory_space<vmem>>)
      %dma_wait3A_117 = tpu.memref_slice %arg4[%add3A_114] : memref<320000xi32, #tpu.memory_space<hbm>> -> memref<80xi32, #tpu.memory_space<hbm>>
      %dma_wait3A_118 = tpu.memref_slice %arg4[%add3A_114] : memref<320000xi32, #tpu.memory_space<hbm>> -> memref<80xi32, #tpu.memory_space<hbm>>
      tpu.wait_dma2 semaphore(%arg11 : memref<!tpu.dma_semaphore, #tpu.memory_space<semaphore_mem>>) src(%dma_wait3A_118 : memref<80xi32, #tpu.memory_space<hbm>>) dst(%arg7 : memref<80xi32, #tpu.memory_space<vmem>>)
      %dma_start3A_119 = arith.constant 0 : i32
      %dma_start3A_120 = arith.constant 0 : i32
      %dma_start3A_121 = tpu.memref_slice %arg2[%dma_start3A_119, %dma_start3A_120] : memref<10000x128xf32, #tpu.memory_space<hbm>> -> memref<10000x128xf32, #tpu.memory_space<hbm>>
      tpu.enqueue_indirect_dma source(%dma_start3A_121 : memref<10000x128xf32, #tpu.memory_space<hbm>>) target(%arg12 : memref<80x128xf32, #tpu.memory_space<vmem>>) offsets(%arg14 : memref<80xi32, #tpu.memory_space<vmem>>) semaphore(%arg9 : memref<!tpu.dma_semaphore, #tpu.memory_space<semaphore_mem>>)
      %dma_wait3A_122 = arith.constant 0 : i32
      %dma_wait3A_123 = arith.constant 0 : i32
      %dma_wait3A_124 = tpu.memref_slice %arg2[%dma_wait3A_122, %dma_wait3A_123] : memref<10000x128xf32, #tpu.memory_space<hbm>> -> memref<10000x128xf32, #tpu.memory_space<hbm>>
      tpu.wait_indirect_dma semaphore(%arg10 : memref<!tpu.dma_semaphore, #tpu.memory_space<semaphore_mem>>) src(%dma_wait3A_124 : memref<10000x128xf32, #tpu.memory_space<hbm>>) dst(%arg13 : memref<80x128xf32, #tpu.memory_space<vmem>>)
      "tpu.region"() ({
        %run_scoped3A = tpu.sem_alloc : memref<!tpu.dma_semaphore, #tpu.memory_space<semaphore_mem>>
        %dma_start3A_138 = arith.constant 0 : i32
        %dma_start3A_139 = arith.constant 0 : i32
        %dma_start3A_140 = tpu.memref_slice %arg6[%dma_start3A_138, %dma_start3A_139] : memref<10240x128xf32, #tpu.memory_space<vmem_shared>> -> memref<10240x128xf32, #tpu.memory_space<vmem_shared>>
        tpu.enqueue_indirect_dma source(%arg13 : memref<80x128xf32, #tpu.memory_space<vmem>>) target(%dma_start3A_140 : memref<10240x128xf32, #tpu.memory_space<vmem_shared>>) offsets(%arg8 : memref<80xi32, #tpu.memory_space<vmem>>) semaphore(%run_scoped3A : memref<!tpu.dma_semaphore, #tpu.memory_space<semaphore_mem>>) {add = true}
        %dma_wait3A_141 = arith.constant 0 : i32
        %dma_wait3A_142 = arith.constant 0 : i32
        %dma_wait3A_143 = tpu.memref_slice %arg6[%dma_wait3A_141, %dma_wait3A_142] : memref<10240x128xf32, #tpu.memory_space<vmem_shared>> -> memref<10240x128xf32, #tpu.memory_space<vmem_shared>>
        tpu.wait_indirect_dma semaphore(%run_scoped3A : memref<!tpu.dma_semaphore, #tpu.memory_space<semaphore_mem>>) src(%arg13 : memref<80x128xf32, #tpu.memory_space<vmem>>) dst(%dma_wait3A_143 : memref<10240x128xf32, #tpu.memory_space<vmem_shared>>)
        tpu.yield
      }) : () -> ()
      %add3A_125 = arith.constant 3 : i32
      %add3A_126 = arith.addi %mul3A_79, %add3A_125 : i32
      %min3A = arith.constant 124 : i32
      %min3A_127 = arith.minsi %add3A_126, %min3A : i32
      %mul3A_128 = arith.constant 10000 : i32
      %mul3A_129 = arith.muli %add3A, %mul3A_128 : i32
      %mul3A_130 = arith.constant 80 : i32
      %mul3A_131 = arith.muli %min3A_127, %mul3A_130 : i32
      %add3A_132 = arith.addi %mul3A_129, %mul3A_131 : i32
      %dma_start3A_133 = tpu.memref_slice %arg3[%add3A_132] : memref<320000xi32, #tpu.memory_space<hbm>> -> memref<80xi32, #tpu.memory_space<hbm>>
      %dma_start3A_134 = tpu.memref_slice %arg3[%add3A_132] : memref<320000xi32, #tpu.memory_space<hbm>> -> memref<80xi32, #tpu.memory_space<hbm>>
      tpu.enqueue_dma source(%dma_start3A_134 : memref<80xi32, #tpu.memory_space<hbm>>) target(%arg15 : memref<80xi32, #tpu.memory_space<vmem>>) target_semaphore(%arg11 : memref<!tpu.dma_semaphore, #tpu.memory_space<semaphore_mem>>)
      %dma_start3A_135 = tpu.memref_slice %arg4[%add3A_132] : memref<320000xi32, #tpu.memory_space<hbm>> -> memref<80xi32, #tpu.memory_space<hbm>>
      %dma_start3A_136 = tpu.memref_slice %arg4[%add3A_132] : memref<320000xi32, #tpu.memory_space<hbm>> -> memref<80xi32, #tpu.memory_space<hbm>>
      tpu.enqueue_dma source(%dma_start3A_136 : memref<80xi32, #tpu.memory_space<hbm>>) target(%arg8 : memref<80xi32, #tpu.memory_space<vmem>>) target_semaphore(%arg11 : memref<!tpu.dma_semaphore, #tpu.memory_space<semaphore_mem>>)
      %scan3A_137 = arith.constant 0 : i32
      scf.yield %scan3A_137 : i32
    }
    %scan3A_60 = arith.constant 62 : i32
    %dma_wait3A = arith.constant 0 : i32
    %dma_wait3A_61 = arith.constant 0 : i32
    %dma_wait3A_62 = tpu.memref_slice %arg2[%dma_wait3A, %dma_wait3A_61] : memref<10000x128xf32, #tpu.memory_space<hbm>> -> memref<10000x128xf32, #tpu.memory_space<hbm>>
    tpu.wait_indirect_dma semaphore(%arg9 : memref<!tpu.dma_semaphore, #tpu.memory_space<semaphore_mem>>) src(%dma_wait3A_62 : memref<10000x128xf32, #tpu.memory_space<hbm>>) dst(%arg12 : memref<80x128xf32, #tpu.memory_space<vmem>>)
    "tpu.region"() ({
      %run_scoped3A = tpu.sem_alloc : memref<!tpu.dma_semaphore, #tpu.memory_space<semaphore_mem>>
      %dma_start3A_76 = arith.constant 0 : i32
      %dma_start3A_77 = arith.constant 0 : i32
      %dma_start3A_78 = tpu.memref_slice %arg6[%dma_start3A_76, %dma_start3A_77] : memref<10240x128xf32, #tpu.memory_space<vmem_shared>> -> memref<10240x128xf32, #tpu.memory_space<vmem_shared>>
      tpu.enqueue_indirect_dma source(%arg12 : memref<80x128xf32, #tpu.memory_space<vmem>>) target(%dma_start3A_78 : memref<10240x128xf32, #tpu.memory_space<vmem_shared>>) offsets(%arg7 : memref<80xi32, #tpu.memory_space<vmem>>) semaphore(%run_scoped3A : memref<!tpu.dma_semaphore, #tpu.memory_space<semaphore_mem>>) {add = true}
      %dma_wait3A_79 = arith.constant 0 : i32
      %dma_wait3A_80 = arith.constant 0 : i32
      %dma_wait3A_81 = tpu.memref_slice %arg6[%dma_wait3A_79, %dma_wait3A_80] : memref<10240x128xf32, #tpu.memory_space<vmem_shared>> -> memref<10240x128xf32, #tpu.memory_space<vmem_shared>>
      tpu.wait_indirect_dma semaphore(%run_scoped3A : memref<!tpu.dma_semaphore, #tpu.memory_space<semaphore_mem>>) src(%arg12 : memref<80x128xf32, #tpu.memory_space<vmem>>) dst(%dma_wait3A_81 : memref<10240x128xf32, #tpu.memory_space<vmem_shared>>)
      tpu.yield
    }) : () -> ()
    %mul3A_63 = arith.constant 10000 : i32
    %mul3A_64 = arith.muli %add3A, %mul3A_63 : i32
    %add3A_65 = arith.constant 9920 : i32
    %add3A_66 = arith.addi %mul3A_64, %add3A_65 : i32
    %dma_wait3A_67 = tpu.memref_slice %arg3[%add3A_66] : memref<320000xi32, #tpu.memory_space<hbm>> -> memref<80xi32, #tpu.memory_space<hbm>>
    %dma_wait3A_68 = tpu.memref_slice %arg3[%add3A_66] : memref<320000xi32, #tpu.memory_space<hbm>> -> memref<80xi32, #tpu.memory_space<hbm>>
    tpu.wait_dma2 semaphore(%arg11 : memref<!tpu.dma_semaphore, #tpu.memory_space<semaphore_mem>>) src(%dma_wait3A_68 : memref<80xi32, #tpu.memory_space<hbm>>) dst(%arg15 : memref<80xi32, #tpu.memory_space<vmem>>)
    %dma_wait3A_69 = tpu.memref_slice %arg4[%add3A_66] : memref<320000xi32, #tpu.memory_space<hbm>> -> memref<80xi32, #tpu.memory_space<hbm>>
    %dma_wait3A_70 = tpu.memref_slice %arg4[%add3A_66] : memref<320000xi32, #tpu.memory_space<hbm>> -> memref<80xi32, #tpu.memory_space<hbm>>
    tpu.wait_dma2 semaphore(%arg11 : memref<!tpu.dma_semaphore, #tpu.memory_space<semaphore_mem>>) src(%dma_wait3A_70 : memref<80xi32, #tpu.memory_space<hbm>>) dst(%arg8 : memref<80xi32, #tpu.memory_space<vmem>>)
    %barrier3A_71 = arith.constant 0 : index
    tpu.barrier barrier_id(%barrier3A_71)
    %mul3A_72 = arith.constant 640 : i32
    %mul3A_73 = arith.muli %arg1, %mul3A_72 : i32
    %mul3A_74 = arith.constant 640 : i32
    %mul3A_75 = arith.muli %arg1, %mul3A_74 : i32
    "tpu.region"() ({
      %run_scoped3A = tpu.sem_alloc : memref<!tpu.dma_semaphore, #tpu.memory_space<semaphore_mem>>
      %dma_start3A_76 = arith.constant 0 : i32
      %dma_start3A_77 = tpu.memref_slice %arg5[%arg0, %mul3A_75, %dma_start3A_76] : memref<2x10240x128xf32, #tpu.memory_space<hbm>> -> memref<1x640x128xf32, #tpu.memory_space<hbm>>
      %dma_start3A_78 = tpu.memref_squeeze %dma_start3A_77 : memref<1x640x128xf32, #tpu.memory_space<hbm>> -> memref<640x128xf32, #tpu.memory_space<hbm>>
      %dma_start3A_79 = arith.constant 0 : i32
      %dma_start3A_80 = tpu.memref_slice %arg6[%mul3A_73, %dma_start3A_79] : memref<10240x128xf32, #tpu.memory_space<vmem_shared>> -> memref<640x128xf32, #tpu.memory_space<vmem_shared>>
      tpu.enqueue_dma source(%dma_start3A_80 : memref<640x128xf32, #tpu.memory_space<vmem_shared>>) target(%dma_start3A_78 : memref<640x128xf32, #tpu.memory_space<hbm>>) target_semaphore(%run_scoped3A : memref<!tpu.dma_semaphore, #tpu.memory_space<semaphore_mem>>)
      %dma_wait3A_81 = arith.constant 0 : i32
      %dma_wait3A_82 = tpu.memref_slice %arg5[%arg0, %mul3A_75, %dma_wait3A_81] : memref<2x10240x128xf32, #tpu.memory_space<hbm>> -> memref<1x640x128xf32, #tpu.memory_space<hbm>>
      %dma_wait3A_83 = tpu.memref_squeeze %dma_wait3A_82 : memref<1x640x128xf32, #tpu.memory_space<hbm>> -> memref<640x128xf32, #tpu.memory_space<hbm>>
      %dma_wait3A_84 = arith.constant 0 : i32
      %dma_wait3A_85 = tpu.memref_slice %arg6[%mul3A_73, %dma_wait3A_84] : memref<10240x128xf32, #tpu.memory_space<vmem_shared>> -> memref<640x128xf32, #tpu.memory_space<vmem_shared>>
      tpu.wait_dma2 semaphore(%run_scoped3A : memref<!tpu.dma_semaphore, #tpu.memory_space<semaphore_mem>>) src(%dma_wait3A_85 : memref<640x128xf32, #tpu.memory_space<vmem_shared>>) dst(%dma_wait3A_83 : memref<640x128xf32, #tpu.memory_space<hbm>>)
      tpu.yield
    }) : () -> ()
    return
  }
}

module attributes {stable_mosaic.version = 14 : i64} {
  func.func @_mm1_body(%arg0: i32, %arg1: memref<400x128xf32, #tpu.memory_space<vmem>>, %arg2: memref<128x128xf32, #tpu.memory_space<vmem>>, %arg3: memref<400x1xf32, #tpu.memory_space<vmem>>, %arg4: memref<400x1xf32, #tpu.memory_space<vmem>>, %arg5: memref<400x128xf32, #tpu.memory_space<vmem>>, %arg6: memref<400x1xf32, #tpu.memory_space<vmem>>) attributes {dimension_semantics = [#tpu.dimension_semantics<arbitrary>], iteration_bounds = array<i64: 25>, scalar_prefetch = 0 : i64, scratch_operands = 0 : i64, tpu.core_type = #tpu.core_type<tc>, window_params = [{transform_indices = @transform_0, window_bounds = array<i64: 400, 128>}, {pipeline_mode = #tpu.pipeline_mode<synchronous>, transform_indices = @transform_1, window_bounds = array<i64: 128, 128>}, {transform_indices = @transform_2, window_bounds = array<i64: 400, 1>}, {transform_indices = @transform_3, window_bounds = array<i64: 400, 1>}, {transform_indices = @transform_4, window_bounds = array<i64: 400, 128>}, {transform_indices = @transform_5, window_bounds = array<i64: 400, 1>}]} {
    %get3A = arith.constant 0 : index
    %get3A_0 = arith.constant 0 : index
    %get3A_1 = vector.load %arg3[%get3A, %get3A_0] : memref<400x1xf32, #tpu.memory_space<vmem>>, vector<400x1xf32>
    %get3A_2 = arith.constant 0 : index
    %get3A_3 = arith.constant 0 : index
    %get3A_4 = vector.load %arg4[%get3A_2, %get3A_3] : memref<400x1xf32, #tpu.memory_space<vmem>>, vector<400x1xf32>
    %add3A = arith.addf %get3A_1, %get3A_4 : vector<400x1xf32>
    %add3A_5 = arith.constant 1.000000e+00 : f32
    %add3A_6 = vector.broadcast %add3A_5 : f32 to vector<400x1xf32>
    %add3A_7 = arith.addf %add3A, %add3A_6 : vector<400x1xf32>
    %rsqrt3A = math.rsqrt %add3A_7 : vector<400x1xf32>
    %get3A_8 = arith.constant 0 : index
    %get3A_9 = arith.constant 0 : index
    %get3A_10 = vector.load %arg1[%get3A_8, %get3A_9] : memref<400x128xf32, #tpu.memory_space<vmem>>, vector<400x128xf32>
    %get3A_11 = arith.constant 0 : index
    %get3A_12 = arith.constant 0 : index
    %get3A_13 = vector.load %arg2[%get3A_11, %get3A_12] : memref<128x128xf32, #tpu.memory_space<vmem>>, vector<128x128xf32>
    %dot_general3A = arith.constant dense<0.000000e+00> : vector<400x128xf32>
    %dot_general3A_14 = tpu.matmul %get3A_10, %get3A_13, %dot_general3A {dimension_numbers = #tpu.dot_dimension_numbers<[1], [0], [0], [1], [0, 0, 1, 1], [], []>, transpose_lhs_hint = false} : vector<400x128xf32>, vector<128x128xf32>, vector<400x128xf32> -> vector<400x128xf32>
    %mul3A = vector.broadcast %rsqrt3A : vector<400x1xf32> to vector<400x128xf32>
    %mul3A_15 = arith.mulf %dot_general3A_14, %mul3A : vector<400x128xf32>
    %swap3A = arith.constant 0 : index
    %swap3A_16 = arith.constant 0 : index
    %swap3A_17 = vector.load %arg5[%swap3A, %swap3A_16] : memref<400x128xf32, #tpu.memory_space<vmem>>, vector<400x128xf32>
    tpu.vector_store %arg5[%swap3A, %swap3A_16], %mul3A_15 {strides = array<i32>} : memref<400x128xf32, #tpu.memory_space<vmem>>, vector<400x128xf32>,
    %swap3A_18 = arith.constant 0 : index
    %swap3A_19 = arith.constant 0 : index
    %swap3A_20 = vector.load %arg6[%swap3A_18, %swap3A_19] : memref<400x1xf32, #tpu.memory_space<vmem>>, vector<400x1xf32>
    tpu.vector_store %arg6[%swap3A_18, %swap3A_19], %rsqrt3A {strides = array<i32>} : memref<400x1xf32, #tpu.memory_space<vmem>>, vector<400x1xf32>,
    return
  }
  func.func @transform_0(%arg0: i32) -> (i32, i32) {
    %c0_i32 = arith.constant 0 : i32
    %c0_i32_0 = arith.constant 0 : i32
    return %arg0, %c0_i32 : i32, i32
  }
  func.func @transform_1(%arg0: i32) -> (i32, i32) {
    %c0_i32 = arith.constant 0 : i32
    %c0_i32_0 = arith.constant 0 : i32
    %c0_i32_1 = arith.constant 0 : i32
    return %c0_i32, %c0_i32_0 : i32, i32
  }
  func.func @transform_2(%arg0: i32) -> (i32, i32) {
    %c0_i32 = arith.constant 0 : i32
    %c0_i32_0 = arith.constant 0 : i32
    return %arg0, %c0_i32 : i32, i32
  }
  func.func @transform_3(%arg0: i32) -> (i32, i32) {
    %c0_i32 = arith.constant 0 : i32
    %c0_i32_0 = arith.constant 0 : i32
    return %arg0, %c0_i32 : i32, i32
  }
  func.func @transform_4(%arg0: i32) -> (i32, i32) {
    %c0_i32 = arith.constant 0 : i32
    %c0_i32_0 = arith.constant 0 : i32
    return %arg0, %c0_i32 : i32, i32
  }
  func.func @transform_5(%arg0: i32) -> (i32, i32) {
    %c0_i32 = arith.constant 0 : i32
    %c0_i32_0 = arith.constant 0 : i32
    return %arg0, %c0_i32 : i32, i32
  }
}

module attributes {stable_mosaic.version = 14 : i64} {
  func.func @_mm2_body(%arg0: i32, %arg1: memref<400x128xf32, #tpu.memory_space<vmem>>, %arg2: memref<400x128xf32, #tpu.memory_space<vmem>>, %arg3: memref<400x128xf32, #tpu.memory_space<vmem>>, %arg4: memref<400x1xf32, #tpu.memory_space<vmem>>, %arg5: memref<1x128xf32, #tpu.memory_space<vmem>>, %arg6: memref<128x128xf32, #tpu.memory_space<vmem>>, %arg7: memref<400x128xf32, #tpu.memory_space<vmem>>) attributes {dimension_semantics = [#tpu.dimension_semantics<arbitrary>], iteration_bounds = array<i64: 25>, scalar_prefetch = 0 : i64, scratch_operands = 0 : i64, tpu.core_type = #tpu.core_type<tc>, window_params = [{transform_indices = @transform_0, window_bounds = array<i64: 400, 128>}, {transform_indices = @transform_1, window_bounds = array<i64: 400, 128>}, {transform_indices = @transform_2, window_bounds = array<i64: 400, 128>}, {transform_indices = @transform_3, window_bounds = array<i64: 400, 1>}, {pipeline_mode = #tpu.pipeline_mode<synchronous>, transform_indices = @transform_4, window_bounds = array<i64: 1, 128>}, {pipeline_mode = #tpu.pipeline_mode<synchronous>, transform_indices = @transform_5, window_bounds = array<i64: 128, 128>}, {transform_indices = @transform_6, window_bounds = array<i64: 400, 128>}]} {
    %get3A = arith.constant 0 : index
    %get3A_0 = arith.constant 0 : index
    %get3A_1 = vector.load %arg4[%get3A, %get3A_0] : memref<400x1xf32, #tpu.memory_space<vmem>>, vector<400x1xf32>
    %get3A_2 = arith.constant 0 : index
    %get3A_3 = arith.constant 0 : index
    %get3A_4 = vector.load %arg1[%get3A_2, %get3A_3] : memref<400x128xf32, #tpu.memory_space<vmem>>, vector<400x128xf32>
    %get3A_5 = arith.constant 0 : index
    %get3A_6 = arith.constant 0 : index
    %get3A_7 = vector.load %arg2[%get3A_5, %get3A_6] : memref<400x128xf32, #tpu.memory_space<vmem>>, vector<400x128xf32>
    %add3A = arith.addf %get3A_4, %get3A_7 : vector<400x128xf32>
    %get3A_8 = arith.constant 0 : index
    %get3A_9 = arith.constant 0 : index
    %get3A_10 = vector.load %arg3[%get3A_8, %get3A_9] : memref<400x128xf32, #tpu.memory_space<vmem>>, vector<400x128xf32>
    %add3A_11 = arith.addf %add3A, %get3A_10 : vector<400x128xf32>
    %mul3A = vector.broadcast %get3A_1 : vector<400x1xf32> to vector<400x128xf32>
    %mul3A_12 = arith.mulf %add3A_11, %mul3A : vector<400x128xf32>
    %get3A_13 = arith.constant 0 : index
    %get3A_14 = arith.constant 0 : index
    %get3A_15 = vector.load %arg5[%get3A_13, %get3A_14] : memref<1x128xf32, #tpu.memory_space<vmem>>, vector<1x128xf32>
    %add3A_16 = vector.broadcast %get3A_15 : vector<1x128xf32> to vector<400x128xf32>
    %add3A_17 = arith.addf %mul3A_12, %add3A_16 : vector<400x128xf32>
    %max3A = arith.constant 0.000000e+00 : f32
    %max3A_18 = vector.broadcast %max3A : f32 to vector<400x128xf32>
    %max3A_19 = arith.maximumf %add3A_17, %max3A_18 : vector<400x128xf32>
    %get3A_20 = arith.constant 0 : index
    %get3A_21 = arith.constant 0 : index
    %get3A_22 = vector.load %arg6[%get3A_20, %get3A_21] : memref<128x128xf32, #tpu.memory_space<vmem>>, vector<128x128xf32>
    %dot_general3A = arith.constant dense<0.000000e+00> : vector<400x128xf32>
    %dot_general3A_23 = tpu.matmul %max3A_19, %get3A_22, %dot_general3A {dimension_numbers = #tpu.dot_dimension_numbers<[1], [0], [0], [1], [0, 0, 1, 1], [], []>, transpose_lhs_hint = false} : vector<400x128xf32>, vector<128x128xf32>, vector<400x128xf32> -> vector<400x128xf32>
    %mul3A_24 = vector.broadcast %get3A_1 : vector<400x1xf32> to vector<400x128xf32>
    %mul3A_25 = arith.mulf %dot_general3A_23, %mul3A_24 : vector<400x128xf32>
    %swap3A = arith.constant 0 : index
    %swap3A_26 = arith.constant 0 : index
    %swap3A_27 = vector.load %arg7[%swap3A, %swap3A_26] : memref<400x128xf32, #tpu.memory_space<vmem>>, vector<400x128xf32>
    tpu.vector_store %arg7[%swap3A, %swap3A_26], %mul3A_25 {strides = array<i32>} : memref<400x128xf32, #tpu.memory_space<vmem>>, vector<400x128xf32>,
    return
  }
  func.func @transform_0(%arg0: i32) -> (i32, i32) {
    %c0_i32 = arith.constant 0 : i32
    %c0_i32_0 = arith.constant 0 : i32
    return %arg0, %c0_i32 : i32, i32
  }
  func.func @transform_1(%arg0: i32) -> (i32, i32) {
    %c0_i32 = arith.constant 0 : i32
    %c0_i32_0 = arith.constant 0 : i32
    return %arg0, %c0_i32 : i32, i32
  }
  func.func @transform_2(%arg0: i32) -> (i32, i32) {
    %c0_i32 = arith.constant 0 : i32
    %c0_i32_0 = arith.constant 0 : i32
    return %arg0, %c0_i32 : i32, i32
  }
  func.func @transform_3(%arg0: i32) -> (i32, i32) {
    %c0_i32 = arith.constant 0 : i32
    %c0_i32_0 = arith.constant 0 : i32
    return %arg0, %c0_i32 : i32, i32
  }
  func.func @transform_4(%arg0: i32) -> (i32, i32) {
    %c0_i32 = arith.constant 0 : i32
    %c0_i32_0 = arith.constant 0 : i32
    %c0_i32_1 = arith.constant 0 : i32
    return %c0_i32, %c0_i32_0 : i32, i32
  }
  func.func @transform_5(%arg0: i32) -> (i32, i32) {
    %c0_i32 = arith.constant 0 : i32
    %c0_i32_0 = arith.constant 0 : i32
    %c0_i32_1 = arith.constant 0 : i32
    return %c0_i32, %c0_i32_0 : i32, i32
  }
  func.func @transform_6(%arg0: i32) -> (i32, i32) {
    %c0_i32 = arith.constant 0 : i32
    %c0_i32_0 = arith.constant 0 : i32
    return %arg0, %c0_i32 : i32, i32
  }
}

module attributes {stable_mosaic.version = 14 : i64} {
  func.func @_fin_body(%arg0: i32, %arg1: memref<400x128xf32, #tpu.memory_space<vmem>>, %arg2: memref<400x128xf32, #tpu.memory_space<vmem>>, %arg3: memref<400x128xf32, #tpu.memory_space<vmem>>, %arg4: memref<400x1xf32, #tpu.memory_space<vmem>>, %arg5: memref<1x128xf32, #tpu.memory_space<vmem>>, %arg6: memref<400x128xf32, #tpu.memory_space<vmem>>) attributes {dimension_semantics = [#tpu.dimension_semantics<arbitrary>], iteration_bounds = array<i64: 25>, scalar_prefetch = 0 : i64, scratch_operands = 0 : i64, tpu.core_type = #tpu.core_type<tc>, window_params = [{transform_indices = @transform_0, window_bounds = array<i64: 400, 128>}, {transform_indices = @transform_1, window_bounds = array<i64: 400, 128>}, {transform_indices = @transform_2, window_bounds = array<i64: 400, 128>}, {transform_indices = @transform_3, window_bounds = array<i64: 400, 1>}, {pipeline_mode = #tpu.pipeline_mode<synchronous>, transform_indices = @transform_4, window_bounds = array<i64: 1, 128>}, {transform_indices = @transform_5, window_bounds = array<i64: 400, 128>}]} {
    %get3A = arith.constant 0 : index
    %get3A_0 = arith.constant 0 : index
    %get3A_1 = vector.load %arg1[%get3A, %get3A_0] : memref<400x128xf32, #tpu.memory_space<vmem>>, vector<400x128xf32>
    %get3A_2 = arith.constant 0 : index
    %get3A_3 = arith.constant 0 : index
    %get3A_4 = vector.load %arg2[%get3A_2, %get3A_3] : memref<400x128xf32, #tpu.memory_space<vmem>>, vector<400x128xf32>
    %add3A = arith.addf %get3A_1, %get3A_4 : vector<400x128xf32>
    %get3A_5 = arith.constant 0 : index
    %get3A_6 = arith.constant 0 : index
    %get3A_7 = vector.load %arg3[%get3A_5, %get3A_6] : memref<400x128xf32, #tpu.memory_space<vmem>>, vector<400x128xf32>
    %add3A_8 = arith.addf %add3A, %get3A_7 : vector<400x128xf32>
    %get3A_9 = arith.constant 0 : index
    %get3A_10 = arith.constant 0 : index
    %get3A_11 = vector.load %arg4[%get3A_9, %get3A_10] : memref<400x1xf32, #tpu.memory_space<vmem>>, vector<400x1xf32>
    %mul3A = vector.broadcast %get3A_11 : vector<400x1xf32> to vector<400x128xf32>
    %mul3A_12 = arith.mulf %add3A_8, %mul3A : vector<400x128xf32>
    %get3A_13 = arith.constant 0 : index
    %get3A_14 = arith.constant 0 : index
    %get3A_15 = vector.load %arg5[%get3A_13, %get3A_14] : memref<1x128xf32, #tpu.memory_space<vmem>>, vector<1x128xf32>
    %add3A_16 = vector.broadcast %get3A_15 : vector<1x128xf32> to vector<400x128xf32>
    %add3A_17 = arith.addf %mul3A_12, %add3A_16 : vector<400x128xf32>
    %swap3A = arith.constant 0 : index
    %swap3A_18 = arith.constant 0 : index
    %swap3A_19 = vector.load %arg6[%swap3A, %swap3A_18] : memref<400x128xf32, #tpu.memory_space<vmem>>, vector<400x128xf32>
    tpu.vector_store %arg6[%swap3A, %swap3A_18], %add3A_17 {strides = array<i32>} : memref<400x128xf32, #tpu.memory_space<vmem>>, vector<400x128xf32>,
    return
  }
  func.func @transform_0(%arg0: i32) -> (i32, i32) {
    %c0_i32 = arith.constant 0 : i32
    %c0_i32_0 = arith.constant 0 : i32
    return %arg0, %c0_i32 : i32, i32
  }
  func.func @transform_1(%arg0: i32) -> (i32, i32) {
    %c0_i32 = arith.constant 0 : i32
    %c0_i32_0 = arith.constant 0 : i32
    return %arg0, %c0_i32 : i32, i32
  }
  func.func @transform_2(%arg0: i32) -> (i32, i32) {
    %c0_i32 = arith.constant 0 : i32
    %c0_i32_0 = arith.constant 0 : i32
    return %arg0, %c0_i32 : i32, i32
  }
  func.func @transform_3(%arg0: i32) -> (i32, i32) {
    %c0_i32 = arith.constant 0 : i32
    %c0_i32_0 = arith.constant 0 : i32
    return %arg0, %c0_i32 : i32, i32
  }
  func.func @transform_4(%arg0: i32) -> (i32, i32) {
    %c0_i32 = arith.constant 0 : i32
    %c0_i32_0 = arith.constant 0 : i32
    %c0_i32_1 = arith.constant 0 : i32
    return %c0_i32, %c0_i32_0 : i32, i32
  }
  func.func @transform_5(%arg0: i32) -> (i32, i32) {
    %c0_i32 = arith.constant 0 : i32
    %c0_i32_0 = arith.constant 0 : i32
    return %arg0, %c0_i32 : i32, i32
  }
}

</mosaic_0001>

<sc_bundles>
// kernel: kernel.11.cloned.1.call-start
scs
__scs_entry_jumppad:
0x0: {  	(pc) =	sbr.rel $0x88, $3  }
0x1: {  	(tag) =	ssettag $0x0;
	lr =	simm.s32 $0x1  }
0x2: {  	[smem:$0x3F9B] =	sst lr;
	_ =	strace $0xD0000000  }
0x3: {  	_ = 	snop  }
0x4: {  	_ = 	snop  }
0x5: {  	_ = 	snop  }
0x6: {  	_ = 	snop  }
0x7: {  	_ = 	snop  }
__scs_overlays_trampoline_lowered:
0x8: {  	[smem:$0x3FAA] =	sst s0  }
0x9: {  	[smem:$0x3FAB] =	sst s1  }
0xa: {  	[smem:$0x3FAC] =	sst s2  }
0xb: {  	[smem:$0x3FAD] =	sst s3  }
0xc: {  	[smem:$0x3FAE] =	sst s4  }
0xd: {  	[smem:$0x3FAF] =	sst s5  }
0xe: {  	[smem:$0x3FB0] =	sst s6  }
0xf: {  	[smem:$0x3FB1] =	sst s7  }
0x10: {  	[smem:$0x3FB2] =	sst s8  }
0x11: {  	[smem:$0x3FB3] =	sst s9;
	s0 =	simm.s32 @!p0 $0x0  }
0x12: {  	s1 =	sld [smem:$0x3F99];
	s0 =	simm.s32 @p0 $0x1  }
0x13: {  	[smem:$0x3FB4] =	sst s0;
	s0 =	simm.s32 @!p1 $0x0  }
0x14: {  	s2 =	sld [smem:$0x3F98];
	s0 =	simm.s32 @p1 $0x1  }
0x15: {  	[smem:$0x3FB5] =	sst s0;
	s0 =	simm.s32 @!p2 $0x0  }
0x16: {  	s3 =	sld [smem:$0x3FDB];
	s0 =	simm.s32 @p2 $0x1  }
0x17: {  	s4 =	simm.s32 $0x1BF5;
	[smem:$0x3FB7] =	sst s0  }
0x18: {  	s0 =	sld [smem:$0x3F9A];
	_ =	swait.ge [sflag:s4], $0x0  }
0x19: {  	s7 =	sld [smem:$0x3F9B]  }
0x1a: {  	s8 =	sadd.s32 $0xFFFFE003, lr  }
0x1b: {  	s9 =	sadd.s32 $0xFFFFFEF7, lr;
	s5 =	simm.s32 $0xFFFFFFFF;
	p2 =	slt.u32 s8, $0xFFFFF086  }
0x1c: {  	p1 =	slt.u32 s9, $0xF7A;
	s5 =	simm.s32 @!p2 $0x0  }
0x1d: {  	s5 =	simm.s32 @p1 $0x1;
	p0 =	seq.s32 s7, s2  }
0x1e: {  	s7 =	smul.u32 @!p0 $0xF7A, s2;
	p2 =	seq.s32 @!p0 s5, $0x0  }
0x1f: {  	s9 =	smul.u32 $0xF7A, s1;
	s8 =	simm.s32 @!p0 $0x1BF5;
	p2 =	por !p2, p0  }
0x20: {  	[sflag:s8] =	ssyncset.s32 @!p0 $0xFFFFF086;
	s6 =	sadd.s32 @!p0 s3, s7;
	s7 =	simm.s32 @!p0 $0x108  }
0x21: {  	s3 =	sadd.s32 s3, s9;
	s6 =	sadd.s32 @!p0 $0x88, s6;
	s7 =	simm.s32 @p2 $0x1082  }
0x22: {  	[simem:s7], [sflag:s8] =	dma.local @!p0 [hbm:s6], $0xF7A  }
0x23: {  	s9 =	sor.u32 $0xD0000000, s2;
	s6 =	simm.s32 $0x108;
	_ =	swait.ge @!p0 [sflag:s8], $0x0  }
0x24: {  	s3 =	sadd.s32 $0x88, s3;
	s6 =	simm.s32 @!p1 $0x1082;
	[sflag:s4] =	ssyncset.s32 $0xFFFFF086  }
0x25: {  	[simem:s6], [sflag:s4] =	dma.local [hbm:s3], $0xF7A  }
0x26: {  	[smem:$0x3F9B] =	sst s1;
	(tag) =	ssettag s2;
	_ =	strace s9  }
0x27: {  	s1 =	sld [smem:$0x3FAB]  }
0x28: {  	s2 =	sld [smem:$0x3FAC]  }
0x29: {  	s4 =	sld [smem:$0x3FAE]  }
0x2a: {  	p0 =	seq.s32 s5, $0x0;
	s5 =	sld [smem:$0x3FAF]  }
0x2b: {  	s6 =	sld [smem:$0x3FB0]  }
0x2c: {  	s7 =	sld [smem:$0x3FB1]  }
0x2d: {  	s3 =	simm.s32 $0x108;
	s8 =	sld [smem:$0x3FB2]  }
0x2e: {  	s3 =	simm.s32 @!p0 $0x1082;
	s9 =	sld [smem:$0x3FB3]  }
0x2f: {  	lr =	sadd.s32 s0, s3;
	s0 =	sld [smem:$0x3FAA]  }
0x30: {  	s3 =	sld [smem:$0x3FAD]  }
0x31: {  	[smem:$0x3FB6] =	sst s10  }
0x32: {  	s10 =	sld [smem:$0x3FB4];
	_ =	sdelay $0x3  }
0x33: {  	p0 =	seq.s32 s10, $0x1;
	s10 =	sld [smem:$0x3FB6];
	_ =	sdelay $0x3  }
0x34: {  	[smem:$0x3FB6] =	sst s10  }
0x35: {  	s10 =	sld [smem:$0x3FB5];
	_ =	sdelay $0x3  }
0x36: {  	p1 =	seq.s32 s10, $0x1;
	s10 =	sld [smem:$0x3FB6];
	_ =	sdelay $0x3  }
0x37: {  	[smem:$0x3FB6] =	sst s10  }
0x38: {  	s10 =	sld [smem:$0x3FB7]  }
0x39: {  	_ = 	snop;
	(pc) =	sbr.ind lr, $3  }
0x3a: {  	_ = 	snop  }
0x3b: {  	_ = 	snop  }
0x3c: {  	p2 =	seq.s32 s10, $0x1;
	s10 =	sld [smem:$0x3FB6]  }
0x3d: {  	_ =	shalt  }
0x3e: {  	_ =	shalt  }
0x3f: {  	_ =	shalt  }
0x40: {  	_ =	shalt  }
0x41: {  	_ =	shalt  }
0x42: {  	_ =	shalt  }
0x43: {  	_ =	shalt  }
0x44: {  	_ =	shalt  }
0x45: {  	_ =	shalt  }
0x46: {  	_ =	shalt  }
0x47: {  	_ =	shalt  }
0x48: {  	_ =	shalt  }
0x49: {  	_ =	shalt  }
0x4a: {  	_ =	shalt  }
0x4b: {  	_ =	shalt  }
0x4c: {  	_ =	shalt  }
0x4d: {  	_ =	shalt  }
0x4e: {  	_ =	shalt  }
0x4f: {  	_ =	shalt  }
0x50: {  	_ =	shalt  }
0x51: {  	_ =	shalt  }
0x52: {  	_ =	shalt  }
0x53: {  	_ =	shalt  }
0x54: {  	_ =	shalt  }
0x55: {  	_ =	shalt  }
0x56: {  	_ =	shalt  }
0x57: {  	_ =	shalt  }
0x58: {  	_ =	shalt  }
0x59: {  	_ =	shalt  }
0x5a: {  	_ =	shalt  }
0x5b: {  	_ =	shalt  }
0x5c: {  	_ =	shalt  }
0x5d: {  	_ =	shalt  }
0x5e: {  	_ =	shalt  }
0x5f: {  	_ =	shalt  }
0x60: {  	_ =	shalt  }
0x61: {  	_ =	shalt  }
0x62: {  	_ =	shalt  }
0x63: {  	_ =	shalt  }
0x64: {  	_ =	shalt  }
0x65: {  	_ =	shalt  }
0x66: {  	_ =	shalt  }
0x67: {  	_ =	shalt  }
0x68: {  	_ =	shalt  }
0x69: {  	_ =	shalt  }
0x6a: {  	_ =	shalt  }
0x6b: {  	_ =	shalt  }
0x6c: {  	_ =	shalt  }
0x6d: {  	_ =	shalt  }
0x6e: {  	_ =	shalt  }
0x6f: {  	_ =	shalt  }
0x70: {  	_ =	shalt  }
0x71: {  	_ =	shalt  }
0x72: {  	_ =	shalt  }
0x73: {  	_ =	shalt  }
0x74: {  	_ =	shalt  }
0x75: {  	_ =	shalt  }
0x76: {  	_ =	shalt  }
0x77: {  	_ =	shalt  }
0x78: {  	_ =	shalt  }
0x79: {  	_ =	shalt  }
0x7a: {  	_ =	shalt  }
0x7b: {  	_ =	shalt  }
0x7c: {  	_ =	shalt  }
0x7d: {  	_ =	shalt  }
0x7e: {  	_ =	shalt  }
0x7f: {  	_ =	shalt  }
0x80: {  	_ =	shalt  }
0x81: {  	_ =	shalt  }
0x82: {  	_ =	shalt  }
0x83: {  	_ =	shalt  }
0x84: {  	_ =	shalt  }
0x85: {  	_ =	shalt  }
0x86: {  	_ =	shalt  }
0x87: {  	_ =	shalt  }
.Lfunc_end0:
.L_simem_size_0:
called_computation.1_lowered:
.L_overlay_start_0:
0x88: {  	s2 =	sld [smem:$0x3FD9]  }
0x89: {  	s3 =	sld [smem:$0x3FFE];
	_ =	sdelay $0x1  }
0x8a: {  	s1 =	srdreg.scid  }
0x8b: {  	s0 =	sand.u32 $0x1, s1  }
0x8c: {  	s17 =	sshll.u32 s0, $0xA;
	s2 =	sadd.s32 s3, s2  }
0x8d: {  	s2 =	sadd.s32 s2, s17  }
0x8e: {  	[smem:$0x3FC2] =	sst s2  }
0x8f: {  	_ = 	snop  }
0x90: {  	s2 =	sld [smem:$0x3FD0];
	(tm) =	ssettm $0x1  }
0x91: {  	s18 =	sld [smem:$0x3FFB];
	_ =	sdelay $0x3  }
0x92: {  	_ =	strace s18  }
0x93: {  	s3 =	sld [smem:$0x3FFC];
	_ =	sdelay $0x3  }
0x94: {  	_ =	strace s3  }
0x95: {  	s3 =	sld [smem:$0x3FFD];
	_ =	sdelay $0x3  }
0x96: {  	_ =	strace s3  }
0x97: {  	_ =	strace $0x8FFFFFFF  }
0x98: {  	s19 =	sld [smem:$0x3FDB];
	_ =	sdelay $0x1  }
0x99: {  	s4 =	simm.s32 $_scs_section_size  }
0x9a: {  	s5 =	simm.s32 $_size__tile_overlayer_lowered;
	s6 =	simm.s32 $_tile_overlayer_lowered  }
0x9b: {  	s22 =	simm.s32 $0x1BFF;
	s21 =	sshll.u32 s6, $0x1;
	s3 =	sadd.s32 s4, s19  }
0x9c: {  	s7 =	simm.s32 $0x0;
	s20 =	sshll.u32 s5, $0x1;
	s5 =	sadd.s32 s21, s3  }
0x9d: {  	[timem:s7], [sflag:s22] =	dma.local [hbm:s5], s20  }
0x9e: {  	_ =	swait.ge [sflag:s22], s20  }
0x9f: {  	s4 =	ssub.s32 $0x0, s20;
	[sflag:s22] =	ssyncset.done $0x0  }
0xa0: {  	[sflag:s22] =	ssyncadd.s32 s4;
	_ =	sdelay $0x1  }
0xa1: {  	s23 =	simm.s32 $0x1B8B  }
0xa2: {  	_ =	swait.ge [sflag:s23], $0x1  }
0xa3: {  	[sflag:s23] =	ssyncset.done $0x0  }
0xa4: {  	s25 =	simm.s32 $0x1B8E;
	s24 =	sld [smem:$0x3FFE];
	[sflag:s23] =	ssyncadd.s32 $0xFFFFFFFF  }
0xa5: {  	s26 =	simm.s32 $execute0_lowered;
	[smem:$0x3FD2] =	sst s25  }
0xa6: {  	s5 =	sshll.u32 s26, $0x1;
	_ =	strace $0x80000049;
	[dreg:$0x1] =	wrdreg $0xFFFFFFFF  }
0xa7: {  	s28 =	simm.s32 $_size_execute0_lowered;
	s3 =	sadd.s32 s3, s5;
	[dreg:$0x0] =	wrdreg $0x0  }
0xa8: {  	s5 =	sshll.u32 s28, $0x1;
	[dreg:$0x2] =	wrdreg s3  }
0xa9: {  	[dreg:$0x3] =	wrdreg s5  }
0xaa: {  	[dreg:$0x4] =	wrdreg $0xC0  }
0xab: {  	_ =	task [dreg:s7], $0x5FFFF  }
0xac: {  	[dreg:$0x1] =	wrdreg $0xFFFFFFFF  }
0xad: {  	[dreg:$0x0] =	wrdreg $0x60  }
0xae: {  	[dreg:$0x2] =	wrdreg s2  }
0xaf: {  	[dreg:$0x3] =	wrdreg s24  }
0xb0: {  	[dreg:$0x4] =	wrdreg $0x0  }
0xb1: {  	[dreg:$0x5] =	wrdreg $0x9  }
0xb2: {  	_ =	task.clear_ibuf [dreg:s7], $0x6FFFF;
	_ =	strace $0x90000049  }
0xb3: {  	s29 =	simm.s32 $0x9;
	_ =	strace $0x8000004B  }
0xb4: {  	_ =	swait.ge [sflag:s29], $0x1  }
0xb5: {  	[sflag:s29] =	ssyncadd.s32 $0xFFFFFFFF  }
0xb6: {  	_ =	strace $0x9000004B  }
0xb7: {  	_ =	sfence  }
0xb8: {  	s30 =	sld [smem:$0x0];
	_ =	sdelay $0x2  }
0xb9: {  	s31 =	sshll.u32 s1, $0xD;
	s1 =	sshrl.u32 s1, $0x2  }
0xba: {  	s3 =	sand.u32 $0x4000, s31;
	s1 =	sadd.s32 s1, s30  }
0xbb: {  	s0 =	sor.u32 s3, s0;
	s1 =	sshll.u32 s1, $0x11  }
0xbc: {  	s0 =	sor.u32 s1, s0  }
0xbd: {  	s0 =	sadd.s32 $0x8F2B, s0  }
0xbe: {  	[sflag:s0] =	ssyncadd.remote.s32 $0x1  }
0xbf: {  	_ =	sfence.sel $0xFFFF  }
0xc0: {  	[dreg:$0x0] =	wrdreg $0xFFFFFFFF;
	(pc) =	sbr.abs _section_cstart, $3  }
0xc1: {  	[dreg:$0x1] =	wrdreg $0xFFFFFFFF  }
0xc2: {  	_ =	task.clear_ibuf [dreg:s7], $0x2FFFF;
	_ =	strace $0x9FFFFFFF  }
0xc3: {  	(tm) =	ssettm $0x7FFFFFFF  }
tec
execute0_lowered:
.L_overlay_start_1:
0x0: {  	(tag) =	ssettag $0x1  }
0x1: {  	s0 =	rddreg [dreg:$0x0]  }
0x2: {  	s1 =	rddreg [dreg:$0x1]  }
0x3: {  	s2 =	srdreg.scid;
	s3 =	rddreg [dreg:$0x2]  }
0x4: {  	s11 =	stileid.u32;
	s4 =	simm.s32 $0x0;
	s28 =	simm.s32 $0x4  }
0x5: {  	s29 =	simm.s32 $0x19100;
	s30 =	simm.s32 $0x14000;
	s6 =	smul.u32 $0x14000, s11  }
0x6: {  	s31 =	simm.s32 $0x50;
	s2 =	sand.u32 $0x1, s2;
	s8 =	smul.u32 $0x50000, s11  }
0x7: {  	[smem:$0x7FF] =	sst s4;
	s10 =	sshll.u32 s11, $0x1;
	s5 =	smul.u32 $0x140000, s2  }
0x8: {  	s17 =	smul.u32 $0x4E20, s11;
	s11 =	simm.s32 $0x2;
	_ =	strace $0x8000004A  }
0x9: {  	s25 =	ssub.s32 $0x2, s2;
	s10 =	sor.u32 s2, s10;
	s6 =	sadd.s32 s6, s5  }
0xa: {  	s8 =	sshrl.u32 s8, $0x2;
	s5 =	sadd.s32 $0x3600, s1;
	s7 =	sshrl.u32 s6, $0x3  }
0xb: {  	s6 =	sadd.s32 $0xD400, s1;
	s1 =	sadd.s32 s7, s1;
	s7 =	sadd.s32 s8, s3  }
0xc: {  	s2 =	smul.u32 $0x2710, s2;
	s9 =	sshrl.u32 s25, $0x1;
	s8 =	sadd.s32 $0x2800, s7  }
0xd: {  	s12 =	smul.u32 $0x2710, s10;
	s26 =	sadd.s32 $0x5000, s7;
	[dreg:$0x4] =	wrdreg s8  }
0xe: {  	s10 =	simm.s32 $0x1;
	s13 =	sadd.s32 $0x7800, s7;
	[dreg:$0x5] =	wrdreg s26  }
0xf: {  	s9 =	ssub.s32 s25, s9;
	s14 =	sadd.s32 $0xA000, s7;
	[dreg:$0x6] =	wrdreg s13  }
0x10: {  	s23 =	sadd.s32 s2, s17;
	s15 =	sadd.s32 $0xC800, s7;
	[dreg:$0x7] =	wrdreg s14  }
0x11: {  	s2 =	simm.s32 $0x14080;
	s16 =	sadd.s32 $0xF000, s7;
	[dreg:$0x8] =	wrdreg s15  }
0x12: {  	s25 =	sadd.s32 $0xF0, s23;
	s19 =	sadd.s32 $0x11800, s7;
	[dreg:$0x9] =	wrdreg s16  }
0x13: {  	s23 =	sadd.s32 $0xA0, s23;
	s8 =	sshrl.u32 s12, $0x3;
	[dreg:$0xa] =	wrdreg s19  }
0x14: {  	s19 =	sadd.s32 $0x3E400, s1;
	s26 =	sshrl.u32 s25, $0x3;
	s1 =	simm.s32 $0x19180  }
0x15: {  	s20 =	sadd.s32 $0xA, s8;
	s12 =	sadd.s32 s5, s8;
	s21 =	sadd.s32 s6, s8  }
0x16: {  	s24 =	sadd.s32 $0x4D8, s8;
	s25 =	sadd.s32 s26, s5;
	[dreg:$0xb] =	wrdreg s12  }
0x17: {  	s8 =	simm.s32 $0x3;
	[dreg:$0xc] =	wrdreg s21;
	s22 =	sadd.s32 s5, s20  }
0x18: {  	s18 =	sadd.s32 s6, s20;
	s20 =	smax.u32 s9, $0x1;
	s21 =	sadd.s32 s5, s24  }
0x19: {  	s9 =	simm.s32 $0x16900;
	s12 =	simm.s32 $0x0;
	[dreg:$0xd] =	wrdreg s22  }
0x1a: {  	v0 =	vimm.f32 $0.0e+00;
	s22 =	sadd.s32 s6, s24;
	s24 =	sadd.s32 s26, s6;
	s26 =	simm.s32 $0x14100  }
.LBB2_1:
0x1b: {  	s13 =	simm.s32 $0x0  }
0x1c: {  	s14 =	sand.u32 $0xFFFFFF80, s13  }
0x1d: {  	s14 =	ssub.s32 $0x0, s14  }
0x1e: {  	s13 =	sand.u32 $0x3FFFFF80, s13;
	s14 =	sand.u32 $0xFFFFFF80, s14  }
0x1f: {  	s15 =	sand.u32 $0x70, s4;
	s14 =	sadd.s32 s14, s13  }
0x20: {  	s13 =	simm.s32 $0x1;
	s15 =	sor.u32 s15, s14;
	s14 =	simm.s32 $0x0  }
.LBB2_2:
0x21: {  	s16 =	sshll.u32 s13, $0x4;
	p0 =	sne.s32 s13, $0x27F;
	s13 =	sadd.s32 $0x1, s13;
	[tilespmem:s15+$0x14100] =	vst v0  }
.Ltmp0:
0x22: {  	s14 =	sadd.s32 $0x10, s14;
	s15 =	sand.u32 $0xFFFFFF80, s16;
	(pc) =	sbr.rel @p0 .LBB2_2-.Ltmp0, $4  }
0x23: {  	s15 =	ssub.s32 s14, s15  }
0x24: {  	s16 =	sand.u32 $0x3FFFFF80, s16;
	s15 =	sand.u32 $0xFFFFFF80, s15  }
0x25: {  	s17 =	sand.u32 $0x70, s14;
	s15 =	sadd.s32 s15, s16  }
0x26: {  	s15 =	sor.u32 s17, s15  }
0x27: {  	[tilespmem:s15+$0x14100] =	vst v0  }
0x28: {  	[spmem:s7] =	stream.linear.scatter [tilespmem:s26], [sflag:$0x4], $0x2800, $0x38;
	[tilespmem:$0x19200] =	vst v63  }
0x29: {  	_ =	swait.ge [sflag:s28], $0x2800  }
0x2a: {  	[sflag:s28] =	ssyncset.done $0x0  }
0x2b: {  	s13 =	rddreg [dreg:$0x4];
	[sflag:s28] =	ssyncadd.s32 $0xFFFFD800  }
0x2c: {  	[spmem:s13] =	stream.linear.scatter [tilespmem:s26], [sflag:$0x4], $0x2800, $0x38;
	[tilespmem:$0x19200] =	vst v63  }
0x2d: {  	_ =	swait.ge [sflag:s28], $0x2800  }
0x2e: {  	[sflag:s28] =	ssyncset.done $0x0  }
0x2f: {  	s17 =	rddreg [dreg:$0x5];
	[sflag:s28] =	ssyncadd.s32 $0xFFFFD800  }
0x30: {  	[spmem:s17] =	stream.linear.scatter [tilespmem:s26], [sflag:$0x4], $0x2800, $0x38;
	[tilespmem:$0x19200] =	vst v63  }
0x31: {  	_ =	swait.ge [sflag:s28], $0x2800  }
0x32: {  	[sflag:s28] =	ssyncset.done $0x0  }
0x33: {  	s14 =	rddreg [dreg:$0x6];
	[sflag:s28] =	ssyncadd.s32 $0xFFFFD800  }
0x34: {  	[spmem:s14] =	stream.linear.scatter [tilespmem:s26], [sflag:$0x4], $0x2800, $0x38;
	[tilespmem:$0x19200] =	vst v63  }
0x35: {  	_ =	swait.ge [sflag:s28], $0x2800  }
0x36: {  	[sflag:s28] =	ssyncset.done $0x0  }
0x37: {  	s15 =	rddreg [dreg:$0x7];
	[sflag:s28] =	ssyncadd.s32 $0xFFFFD800  }
0x38: {  	[spmem:s15] =	stream.linear.scatter [tilespmem:s26], [sflag:$0x4], $0x2800, $0x38;
	[tilespmem:$0x19200] =	vst v63  }
0x39: {  	_ =	swait.ge [sflag:s28], $0x2800  }
0x3a: {  	[sflag:s28] =	ssyncset.done $0x0  }
0x3b: {  	s16 =	rddreg [dreg:$0x8];
	[sflag:s28] =	ssyncadd.s32 $0xFFFFD800  }
0x3c: {  	[spmem:s16] =	stream.linear.scatter [tilespmem:s26], [sflag:$0x4], $0x2800, $0x38;
	[tilespmem:$0x19200] =	vst v63  }
0x3d: {  	_ =	swait.ge [sflag:s28], $0x2800  }
0x3e: {  	[sflag:s28] =	ssyncset.done $0x0  }
0x3f: {  	s17 =	rddreg [dreg:$0x9];
	[sflag:s28] =	ssyncadd.s32 $0xFFFFD800  }
0x40: {  	[spmem:s17] =	stream.linear.scatter [tilespmem:s26], [sflag:$0x4], $0x2800, $0x38;
	[tilespmem:$0x19200] =	vst v63  }
0x41: {  	_ =	swait.ge [sflag:s28], $0x2800  }
0x42: {  	[sflag:s28] =	ssyncset.done $0x0  }
0x43: {  	s14 =	rddreg [dreg:$0xa];
	[sflag:s28] =	ssyncadd.s32 $0xFFFFD800  }
0x44: {  	[spmem:s14] =	stream.linear.scatter [tilespmem:s26], [sflag:$0x4], $0x2800, $0x38;
	[tilespmem:$0x19200] =	vst v63  }
0x45: {  	_ =	swait.ge [sflag:s28], $0x2800  }
0x46: {  	[sflag:s28] =	ssyncset.done $0x0  }
0x47: {  	s15 =	simm.s32 $0x0;
	s14 =	rddreg [dreg:$0xb];
	[sflag:s28] =	ssyncadd.s32 $0xFFFFD800  }
0x48: {  	[tilespmem:s29], [sflag:$0x4] =	stream.linear.gather [hbm4b:s14+s15], $0x50, $0x38;
	[tilespmem:$0x19200] =	vst v63  }
0x49: {  	_ =	swait.ge [sflag:s28], $0x50  }
0x4a: {  	[sflag:s28] =	ssyncset.done $0x0  }
0x4b: {  	s16 =	rddreg [dreg:$0xc];
	[sflag:s28] =	ssyncadd.s32 $0xFFFFFFB0  }
0x4c: {  	[tilespmem:s30], [sflag:$0x4] =	stream.linear.gather [hbm4b:s16+s15], $0x50, $0x38;
	[tilespmem:$0x19200] =	vst v63  }
0x4d: {  	_ =	swait.ge [sflag:s28], $0x50  }
0x4e: {  	[sflag:s28] =	ssyncset.done $0x0  }
0x4f: {  	[sflag:s28] =	ssyncadd.s32 $0xFFFFFFB0  }
0x50: {  	[bflag:$0x0] =	sbarrier.arrive $0xFFFF  }
0x51: {  	[tilespmem:s26], [sflag:$0x1] =	stream.indirect.gather [hbm4b:s0+s31], $0x80, s29, s31, $0xb8;
	[tilespmem:$0x19200] =	vst v63  }
0x52: {  	s17 =	rddreg [dreg:$0xd]  }
0x53: {  	[tilespmem:s1], [sflag:$0x3] =	stream.linear.gather [hbm4b:s17+s15], $0x50, $0x38;
	[tilespmem:$0x19200] =	vst v63  }
0x54: {  	_ = 	snop  }
0x55: {  	[tilespmem:s2], [sflag:$0x3] =	stream.linear.gather [hbm4b:s18+s15], $0x50, $0x38;
	[tilespmem:$0x19200] =	vst v63  }
0x56: {  	_ =	swait.ge [sflag:s8], $0x50  }
0x57: {  	[sflag:s8] =	ssyncset.done $0x0  }
0x58: {  	[sflag:s8] =	ssyncadd.s32 $0xFFFFFFB0  }
0x59: {  	_ =	swait.ge [sflag:s8], $0x50  }
0x5a: {  	[sflag:s8] =	ssyncset.done $0x0  }
0x5b: {  	[sflag:s8] =	ssyncadd.s32 $0xFFFFFFB0  }
0x5c: {  	[tilespmem:s9], [sflag:$0x2] =	stream.indirect.gather [hbm4b:s0+s31], $0x80, s1, s31, $0xb8;
	[tilespmem:$0x19200] =	vst v63  }
0x5d: {  	_ =	swait.ge [sflag:s10], $0x2800  }
0x5e: {  	[sflag:s10] =	ssyncset.done $0x0  }
0x5f: {  	[sflag:s10] =	ssyncadd.s32 $0xFFFFD800  }
0x60: {  	[spmem:s3] =	stream.indirect.scatter.add.f32 [tilespmem:s26], [sflag:$0x4], $0x80, s30, s31, $0xb8;
	[tilespmem:$0x19200] =	vst v63  }
0x61: {  	_ =	swait.ge [sflag:s28], $0x2800  }
0x62: {  	s15 =	sshrl.u32 s23, $0x3;
	[sflag:s28] =	ssyncset.done $0x0  }
0x63: {  	s16 =	sadd.s32 s5, s15;
	[sflag:s28] =	ssyncadd.s32 $0xFFFFD800  }
0x64: {  	[tilespmem:s29], [sflag:$0x3] =	stream.linear.gather [hbm4b:s16+s4], $0x50, $0x38;
	[tilespmem:$0x19200] =	vst v63  }
0x65: {  	s13 =	sadd.s32 s6, s15  }
0x66: {  	[tilespmem:s30], [sflag:$0x3] =	stream.linear.gather [hbm4b:s13+s4], $0x50, $0x38;
	[tilespmem:$0x19200] =	vst v63  }
0x67: {  	_ =	swait.ge [sflag:s8], $0x50  }
0x68: {  	[sflag:s8] =	ssyncset.done $0x0  }
0x69: {  	[sflag:s8] =	ssyncadd.s32 $0xFFFFFFB0  }
0x6a: {  	_ =	swait.ge [sflag:s8], $0x50  }
0x6b: {  	[sflag:s8] =	ssyncset.done $0x0  }
0x6c: {  	[sflag:s8] =	ssyncadd.s32 $0xFFFFFFB0  }
0x6d: {  	[tilespmem:s26], [sflag:$0x1] =	stream.indirect.gather [hbm4b:s0+s31], $0x80, s29, s31, $0xb8;
	[tilespmem:$0x19200] =	vst v63  }
0x6e: {  	_ =	swait.ge [sflag:s11], $0x2800  }
0x6f: {  	[sflag:s11] =	ssyncset.done $0x0  }
0x70: {  	[sflag:s11] =	ssyncadd.s32 $0xFFFFD800  }
0x71: {  	[spmem:s3] =	stream.indirect.scatter.add.f32 [tilespmem:s9], [sflag:$0x4], $0x80, s2, s31, $0xb8;
	[tilespmem:$0x19200] =	vst v63  }
0x72: {  	_ =	swait.ge [sflag:s28], $0x2800  }
0x73: {  	s14 =	sadd.s32 $0xA0, s23;
	s17 =	sadd.s32 $0x0, s25;
	[sflag:s28] =	ssyncset.done $0x0  }
0x74: {  	s15 =	sadd.s32 $0x0, s24;
	s13 =	simm.s32 $0x14;
	[sflag:s28] =	ssyncadd.s32 $0xFFFFD800  }
0x75: {  	[tilespmem:s1], [sflag:$0x3] =	stream.linear.gather [hbm4b:s17+s4], $0x50, $0x38;
	[tilespmem:$0x19200] =	vst v63  }
.LBB2_4:
0x76: {  	[tilespmem:s2], [sflag:$0x3] =	stream.linear.gather [hbm4b:s15+s4], $0x50, $0x38;
	[tilespmem:$0x19200] =	vst v63  }
0x77: {  	s15 =	smov.u32 s13  }
0x78: {  	p0 =	sne.s32 s13, $0x4B0;
	s13 =	sadd.s32 $0x14, s13;
	_ =	swait.ge [sflag:s8], $0x50  }
0x79: {  	[sflag:s8] =	ssyncset.done $0x0  }
0x7a: {  	[sflag:s8] =	ssyncadd.s32 $0xFFFFFFB0  }
0x7b: {  	_ =	swait.ge [sflag:s8], $0x50  }
0x7c: {  	[sflag:s8] =	ssyncset.done $0x0  }
0x7d: {  	[sflag:s8] =	ssyncadd.s32 $0xFFFFFFB0  }
0x7e: {  	[tilespmem:s9], [sflag:$0x2] =	stream.indirect.gather [hbm4b:s0+s31], $0x80, s1, s31, $0xb8;
	[tilespmem:$0x19200] =	vst v63  }
0x7f: {  	_ =	swait.ge [sflag:s10], $0x2800  }
0x80: {  	[sflag:s10] =	ssyncset.done $0x0  }
0x81: {  	[sflag:s10] =	ssyncadd.s32 $0xFFFFD800  }
0x82: {  	[spmem:s3] =	stream.indirect.scatter.add.f32 [tilespmem:s26], [sflag:$0x4], $0x80, s30, s31, $0xb8;
	[tilespmem:$0x19200] =	vst v63  }
0x83: {  	_ =	swait.ge [sflag:s28], $0x2800  }
0x84: {  	s16 =	sshrl.u32 s14, $0x3;
	[sflag:s28] =	ssyncset.done $0x0  }
0x85: {  	s17 =	sadd.s32 s5, s16;
	[sflag:s28] =	ssyncadd.s32 $0xFFFFD800  }
0x86: {  	[tilespmem:s29], [sflag:$0x3] =	stream.linear.gather [hbm4b:s17+s4], $0x50, $0x38;
	[tilespmem:$0x19200] =	vst v63  }
0x87: {  	s16 =	sadd.s32 s6, s16  }
0x88: {  	[tilespmem:s30], [sflag:$0x3] =	stream.linear.gather [hbm4b:s16+s4], $0x50, $0x38;
	[tilespmem:$0x19200] =	vst v63  }
0x89: {  	_ =	swait.ge [sflag:s8], $0x50  }
0x8a: {  	[sflag:s8] =	ssyncset.done $0x0  }
0x8b: {  	[sflag:s8] =	ssyncadd.s32 $0xFFFFFFB0  }
0x8c: {  	_ =	swait.ge [sflag:s8], $0x50  }
0x8d: {  	[sflag:s8] =	ssyncset.done $0x0  }
0x8e: {  	[sflag:s8] =	ssyncadd.s32 $0xFFFFFFB0  }
0x8f: {  	[tilespmem:s26], [sflag:$0x1] =	stream.indirect.gather [hbm4b:s0+s31], $0x80, s29, s31, $0xb8;
	[tilespmem:$0x19200] =	vst v63  }
0x90: {  	_ =	swait.ge [sflag:s11], $0x2800  }
0x91: {  	[sflag:s11] =	ssyncset.done $0x0  }
0x92: {  	[sflag:s11] =	ssyncadd.s32 $0xFFFFD800  }
0x93: {  	[spmem:s3] =	stream.indirect.scatter.add.f32 [tilespmem:s9], [sflag:$0x4], $0x80, s2, s31, $0xb8;
	[tilespmem:$0x19200] =	vst v63  }
.Ltmp1:
0x94: {  	_ =	swait.ge [sflag:s28], $0x2800;
	(pc) =	sbr.rel @p0 .LBB2_4-.Ltmp1, $4  }
0x95: {  	[sflag:s28] =	ssyncset.done $0x0  }
0x96: {  	s16 =	sadd.s32 s15, s25;
	[sflag:s28] =	ssyncadd.s32 $0xFFFFD800  }
0x97: {  	[tilespmem:s1], [sflag:$0x3] =	stream.linear.gather [hbm4b:s16+s4], $0x50, $0x38;
	[tilespmem:$0x19200] =	vst v63  }
0x98: {  	s14 =	sadd.s32 $0xA0, s14;
	s15 =	sadd.s32 s15, s24  }
0x99: {  	[tilespmem:s2], [sflag:$0x3] =	stream.linear.gather [hbm4b:s15+s4], $0x50, $0x38;
	[tilespmem:$0x19200] =	vst v63  }
0x9a: {  	_ =	swait.ge [sflag:s8], $0x50  }
0x9b: {  	[sflag:s8] =	ssyncset.done $0x0  }
0x9c: {  	[sflag:s8] =	ssyncadd.s32 $0xFFFFFFB0  }
0x9d: {  	_ =	swait.ge [sflag:s8], $0x50  }
0x9e: {  	[sflag:s8] =	ssyncset.done $0x0  }
0x9f: {  	[sflag:s8] =	ssyncadd.s32 $0xFFFFFFB0  }
0xa0: {  	[tilespmem:s9], [sflag:$0x2] =	stream.indirect.gather [hbm4b:s0+s31], $0x80, s1, s31, $0xb8;
	[tilespmem:$0x19200] =	vst v63  }
0xa1: {  	_ =	swait.ge [sflag:s10], $0x2800  }
0xa2: {  	[sflag:s10] =	ssyncset.done $0x0  }
0xa3: {  	[sflag:s10] =	ssyncadd.s32 $0xFFFFD800  }
0xa4: {  	[spmem:s3] =	stream.indirect.scatter.add.f32 [tilespmem:s26], [sflag:$0x4], $0x80, s30, s31, $0xb8;
	[tilespmem:$0x19200] =	vst v63  }
0xa5: {  	_ =	swait.ge [sflag:s28], $0x2800  }
0xa6: {  	[sflag:s28] =	ssyncset.done $0x0  }
0xa7: {  	[sflag:s28] =	ssyncadd.s32 $0xFFFFD800  }
0xa8: {  	[tilespmem:s29], [sflag:$0x3] =	stream.linear.gather [hbm4b:s21+s4], $0x50, $0x38;
	[tilespmem:$0x19200] =	vst v63  }
0xa9: {  	_ = 	snop  }
0xaa: {  	[tilespmem:s30], [sflag:$0x3] =	stream.linear.gather [hbm4b:s22+s4], $0x50, $0x38;
	[tilespmem:$0x19200] =	vst v63  }
0xab: {  	_ =	swait.ge [sflag:s8], $0x50  }
0xac: {  	[sflag:s8] =	ssyncset.done $0x0  }
0xad: {  	[sflag:s8] =	ssyncadd.s32 $0xFFFFFFB0  }
0xae: {  	_ =	swait.ge [sflag:s8], $0x50  }
0xaf: {  	[sflag:s8] =	ssyncset.done $0x0  }
0xb0: {  	[sflag:s8] =	ssyncadd.s32 $0xFFFFFFB0  }
0xb1: {  	[tilespmem:s26], [sflag:$0x1] =	stream.indirect.gather [hbm4b:s0+s31], $0x80, s29, s31, $0xb8;
	[tilespmem:$0x19200] =	vst v63  }
0xb2: {  	_ =	swait.ge [sflag:s11], $0x2800  }
0xb3: {  	[sflag:s11] =	ssyncset.done $0x0  }
0xb4: {  	[sflag:s11] =	ssyncadd.s32 $0xFFFFD800  }
0xb5: {  	[spmem:s3] =	stream.indirect.scatter.add.f32 [tilespmem:s9], [sflag:$0x4], $0x80, s2, s31, $0xb8;
	[tilespmem:$0x19200] =	vst v63  }
0xb6: {  	_ =	swait.ge [sflag:s28], $0x2800  }
0xb7: {  	[sflag:s28] =	ssyncset.done $0x0  }
0xb8: {  	[sflag:s28] =	ssyncadd.s32 $0xFFFFD800  }
0xb9: {  	[tilespmem:s1], [sflag:$0x3] =	stream.linear.gather [hbm4b:s21+s4], $0x50, $0x38;
	[tilespmem:$0x19200] =	vst v63  }
0xba: {  	_ = 	snop  }
0xbb: {  	[tilespmem:s2], [sflag:$0x3] =	stream.linear.gather [hbm4b:s22+s4], $0x50, $0x38;
	[tilespmem:$0x19200] =	vst v63  }
0xbc: {  	_ =	swait.ge [sflag:s10], $0x2800  }
0xbd: {  	[sflag:s10] =	ssyncset.done $0x0  }
0xbe: {  	[sflag:s10] =	ssyncadd.s32 $0xFFFFD800  }
0xbf: {  	[spmem:s3] =	stream.indirect.scatter.add.f32 [tilespmem:s26], [sflag:$0x4], $0x80, s30, s31, $0xb8;
	[tilespmem:$0x19200] =	vst v63  }
0xc0: {  	_ =	swait.ge [sflag:s28], $0x2800  }
0xc1: {  	[sflag:s28] =	ssyncset.done $0x0  }
0xc2: {  	[sflag:s28] =	ssyncadd.s32 $0xFFFFD800  }
0xc3: {  	_ =	swait.ge [sflag:s8], $0x50  }
0xc4: {  	[sflag:s8] =	ssyncset.done $0x0  }
0xc5: {  	[sflag:s8] =	ssyncadd.s32 $0xFFFFFFB0  }
0xc6: {  	s13 =	stileid.u32;
	_ =	swait.ge [sflag:s8], $0x50  }
0xc7: {  	s14 =	sshrl.u32 s7, $0x3;
	s12 =	sadd.s32 $0x1, s12;
	[sflag:s8] =	ssyncset.done $0x0  }
0xc8: {  	s13 =	sshll.u32 s13, $0x6;
	p0 =	sne.s32 s12, s20;
	[sflag:s8] =	ssyncadd.s32 $0xFFFFFFB0  }
.Ltmp2:
0xc9: {  	s13 =	sor.u32 $0x1C04, s13;
	[bflag:$0x0] =	sbarrier.arrive $0xFFFF;
	(pc) =	sbr.rel @p0 .LBB2_1-.Ltmp2, $4  }
0xca: {  	[hbm:s19], [sflag:s13] =	dma.local [spmem:s14], $0x2800  }
0xcb: {  	_ =	swait.ge [sflag:s28], $0x2800  }
0xcc: {  	[sflag:s28] =	ssyncset.done $0x0  }
0xcd: {  	[sflag:s28] =	ssyncadd.s32 $0xFFFFD800  }
0xce: {  	_ =	sfence.sel $0x180000  }
0xcf: {  	[bflag:$0x0] =	sbarrier.arrive $0xFFFF  }
0xd0: {  	_ =	strace $0x9000004A  }
0xd1: {  	s0 =	stileid.u32;
	[bflag:$0x2] =	sbarrier.arrive $0xFFFF  }
0xd2: {  	p0 =	sne.s32 s0, $0x0;
	s0 =	rddreg [dreg:$0x3]  }
0xd3: {  	s0 =	sadd.s32 @!p0 $0x100000, s0  }
0xd4: {  	[sflag:s0] =	ssyncadd.tile.s32 @!p0 $0x1;
	_ =	shalt  }
.Lfunc_end2:
_tile_overlayer_lowered:
.L_overlay_start_2:
0xd5: {  	(tag) =	ssettag $0x2  }
0xd6: {  	s0 =	rddreg [dreg:$0x0];
	s2 =	stileid.u32  }
0xd7: {  	s1 =	rddreg [dreg:$0x1];
	p0 =	sne.s32 s2, $0x0  }
0xd8: {  	s3 =	rddreg [dreg:$0x2];
	[bflag:$0x3] =	sbarrier.arrive $0xFFFF;
	s2 =	simm.s32 @!p0 $0x1C04  }
0xd9: {  	[timem:s3], [sflag:s2] =	dma.local @!p0 [hbm:s0], s1  }
0xda: {  	s0 =	simm.s32 @!p0 $0x4  }
0xdb: {  	_ =	swait.ge @!p0 [sflag:s0], s1  }
0xdc: {  	s1 =	ssub.s32 @!p0 $0x0, s1;
	[sflag:s0] =	ssyncset.done @!p0 $0x0  }
0xdd: {  	[sflag:s0] =	ssyncadd.s32 @!p0 s1  }
0xde: {  	[bflag:$0x3] =	sbarrier.arrive $0xFFFF  }
0xdf: {  	_ =	shalt  }

// kernel: kernel.14.cloned.1.call-start
scs
__scs_entry_jumppad:
0x0: {  	(pc) =	sbr.rel $0x88, $3  }
0x1: {  	(tag) =	ssettag $0x0;
	lr =	simm.s32 $0x1  }
0x2: {  	[smem:$0x3F9B] =	sst lr;
	_ =	strace $0xD0000000  }
0x3: {  	_ = 	snop  }
0x4: {  	_ = 	snop  }
0x5: {  	_ = 	snop  }
0x6: {  	_ = 	snop  }
0x7: {  	_ = 	snop  }
__scs_overlays_trampoline_lowered:
0x8: {  	[smem:$0x3FAA] =	sst s0  }
0x9: {  	[smem:$0x3FAB] =	sst s1  }
0xa: {  	[smem:$0x3FAC] =	sst s2  }
0xb: {  	[smem:$0x3FAD] =	sst s3  }
0xc: {  	[smem:$0x3FAE] =	sst s4  }
0xd: {  	[smem:$0x3FAF] =	sst s5  }
0xe: {  	[smem:$0x3FB0] =	sst s6  }
0xf: {  	[smem:$0x3FB1] =	sst s7  }
0x10: {  	[smem:$0x3FB2] =	sst s8  }
0x11: {  	[smem:$0x3FB3] =	sst s9;
	s0 =	simm.s32 @!p0 $0x0  }
0x12: {  	s1 =	sld [smem:$0x3F99];
	s0 =	simm.s32 @p0 $0x1  }
0x13: {  	[smem:$0x3FB4] =	sst s0;
	s0 =	simm.s32 @!p1 $0x0  }
0x14: {  	s2 =	sld [smem:$0x3F98];
	s0 =	simm.s32 @p1 $0x1  }
0x15: {  	[smem:$0x3FB5] =	sst s0;
	s0 =	simm.s32 @!p2 $0x0  }
0x16: {  	s3 =	sld [smem:$0x3FDB];
	s0 =	simm.s32 @p2 $0x1  }
0x17: {  	s4 =	simm.s32 $0x1BF5;
	[smem:$0x3FB7] =	sst s0  }
0x18: {  	s0 =	sld [smem:$0x3F9A];
	_ =	swait.ge [sflag:s4], $0x0  }
0x19: {  	s7 =	sld [smem:$0x3F9B]  }
0x1a: {  	s8 =	sadd.s32 $0xFFFFE003, lr  }
0x1b: {  	s9 =	sadd.s32 $0xFFFFFEF7, lr;
	s5 =	simm.s32 $0xFFFFFFFF;
	p2 =	slt.u32 s8, $0xFFFFF086  }
0x1c: {  	p1 =	slt.u32 s9, $0xF7A;
	s5 =	simm.s32 @!p2 $0x0  }
0x1d: {  	s5 =	simm.s32 @p1 $0x1;
	p0 =	seq.s32 s7, s2  }
0x1e: {  	s7 =	smul.u32 @!p0 $0xF7A, s2;
	p2 =	seq.s32 @!p0 s5, $0x0  }
0x1f: {  	s9 =	smul.u32 $0xF7A, s1;
	s8 =	simm.s32 @!p0 $0x1BF5;
	p2 =	por !p2, p0  }
0x20: {  	[sflag:s8] =	ssyncset.s32 @!p0 $0xFFFFF086;
	s6 =	sadd.s32 @!p0 s3, s7;
	s7 =	simm.s32 @!p0 $0x108  }
0x21: {  	s3 =	sadd.s32 s3, s9;
	s6 =	sadd.s32 @!p0 $0x88, s6;
	s7 =	simm.s32 @p2 $0x1082  }
0x22: {  	[simem:s7], [sflag:s8] =	dma.local @!p0 [hbm:s6], $0xF7A  }
0x23: {  	s9 =	sor.u32 $0xD0000000, s2;
	s6 =	simm.s32 $0x108;
	_ =	swait.ge @!p0 [sflag:s8], $0x0  }
0x24: {  	s3 =	sadd.s32 $0x88, s3;
	s6 =	simm.s32 @!p1 $0x1082;
	[sflag:s4] =	ssyncset.s32 $0xFFFFF086  }
0x25: {  	[simem:s6], [sflag:s4] =	dma.local [hbm:s3], $0xF7A  }
0x26: {  	[smem:$0x3F9B] =	sst s1;
	(tag) =	ssettag s2;
	_ =	strace s9  }
0x27: {  	s1 =	sld [smem:$0x3FAB]  }
0x28: {  	s2 =	sld [smem:$0x3FAC]  }
0x29: {  	s4 =	sld [smem:$0x3FAE]  }
0x2a: {  	p0 =	seq.s32 s5, $0x0;
	s5 =	sld [smem:$0x3FAF]  }
0x2b: {  	s6 =	sld [smem:$0x3FB0]  }
0x2c: {  	s7 =	sld [smem:$0x3FB1]  }
0x2d: {  	s3 =	simm.s32 $0x108;
	s8 =	sld [smem:$0x3FB2]  }
0x2e: {  	s3 =	simm.s32 @!p0 $0x1082;
	s9 =	sld [smem:$0x3FB3]  }
0x2f: {  	lr =	sadd.s32 s0, s3;
	s0 =	sld [smem:$0x3FAA]  }
0x30: {  	s3 =	sld [smem:$0x3FAD]  }
0x31: {  	[smem:$0x3FB6] =	sst s10  }
0x32: {  	s10 =	sld [smem:$0x3FB4];
	_ =	sdelay $0x3  }
0x33: {  	p0 =	seq.s32 s10, $0x1;
	s10 =	sld [smem:$0x3FB6];
	_ =	sdelay $0x3  }
0x34: {  	[smem:$0x3FB6] =	sst s10  }
0x35: {  	s10 =	sld [smem:$0x3FB5];
	_ =	sdelay $0x3  }
0x36: {  	p1 =	seq.s32 s10, $0x1;
	s10 =	sld [smem:$0x3FB6];
	_ =	sdelay $0x3  }
0x37: {  	[smem:$0x3FB6] =	sst s10  }
0x38: {  	s10 =	sld [smem:$0x3FB7]  }
0x39: {  	_ = 	snop;
	(pc) =	sbr.ind lr, $3  }
0x3a: {  	_ = 	snop  }
0x3b: {  	_ = 	snop  }
0x3c: {  	p2 =	seq.s32 s10, $0x1;
	s10 =	sld [smem:$0x3FB6]  }
0x3d: {  	_ =	shalt  }
0x3e: {  	_ =	shalt  }
0x3f: {  	_ =	shalt  }
0x40: {  	_ =	shalt  }
0x41: {  	_ =	shalt  }
0x42: {  	_ =	shalt  }
0x43: {  	_ =	shalt  }
0x44: {  	_ =	shalt  }
0x45: {  	_ =	shalt  }
0x46: {  	_ =	shalt  }
0x47: {  	_ =	shalt  }
0x48: {  	_ =	shalt  }
0x49: {  	_ =	shalt  }
0x4a: {  	_ =	shalt  }
0x4b: {  	_ =	shalt  }
0x4c: {  	_ =	shalt  }
0x4d: {  	_ =	shalt  }
0x4e: {  	_ =	shalt  }
0x4f: {  	_ =	shalt  }
0x50: {  	_ =	shalt  }
0x51: {  	_ =	shalt  }
0x52: {  	_ =	shalt  }
0x53: {  	_ =	shalt  }
0x54: {  	_ =	shalt  }
0x55: {  	_ =	shalt  }
0x56: {  	_ =	shalt  }
0x57: {  	_ =	shalt  }
0x58: {  	_ =	shalt  }
0x59: {  	_ =	shalt  }
0x5a: {  	_ =	shalt  }
0x5b: {  	_ =	shalt  }
0x5c: {  	_ =	shalt  }
0x5d: {  	_ =	shalt  }
0x5e: {  	_ =	shalt  }
0x5f: {  	_ =	shalt  }
0x60: {  	_ =	shalt  }
0x61: {  	_ =	shalt  }
0x62: {  	_ =	shalt  }
0x63: {  	_ =	shalt  }
0x64: {  	_ =	shalt  }
0x65: {  	_ =	shalt  }
0x66: {  	_ =	shalt  }
0x67: {  	_ =	shalt  }
0x68: {  	_ =	shalt  }
0x69: {  	_ =	shalt  }
0x6a: {  	_ =	shalt  }
0x6b: {  	_ =	shalt  }
0x6c: {  	_ =	shalt  }
0x6d: {  	_ =	shalt  }
0x6e: {  	_ =	shalt  }
0x6f: {  	_ =	shalt  }
0x70: {  	_ =	shalt  }
0x71: {  	_ =	shalt  }
0x72: {  	_ =	shalt  }
0x73: {  	_ =	shalt  }
0x74: {  	_ =	shalt  }
0x75: {  	_ =	shalt  }
0x76: {  	_ =	shalt  }
0x77: {  	_ =	shalt  }
0x78: {  	_ =	shalt  }
0x79: {  	_ =	shalt  }
0x7a: {  	_ =	shalt  }
0x7b: {  	_ =	shalt  }
0x7c: {  	_ =	shalt  }
0x7d: {  	_ =	shalt  }
0x7e: {  	_ =	shalt  }
0x7f: {  	_ =	shalt  }
0x80: {  	_ =	shalt  }
0x81: {  	_ =	shalt  }
0x82: {  	_ =	shalt  }
0x83: {  	_ =	shalt  }
0x84: {  	_ =	shalt  }
0x85: {  	_ =	shalt  }
0x86: {  	_ =	shalt  }
0x87: {  	_ =	shalt  }
.Lfunc_end0:
.L_simem_size_0:
called_computation.2_lowered:
.L_overlay_start_0:
0x88: {  	s2 =	sld [smem:$0x3FD9]  }
0x89: {  	s3 =	sld [smem:$0x3FFE];
	_ =	sdelay $0x1  }
0x8a: {  	s1 =	srdreg.scid  }
0x8b: {  	s0 =	sand.u32 $0x1, s1  }
0x8c: {  	s17 =	sshll.u32 s0, $0xA;
	s2 =	sadd.s32 s3, s2  }
0x8d: {  	s2 =	sadd.s32 s2, s17  }
0x8e: {  	[smem:$0x3FC2] =	sst s2  }
0x8f: {  	_ = 	snop  }
0x90: {  	s2 =	sld [smem:$0x3FD0];
	(tm) =	ssettm $0x1  }
0x91: {  	s18 =	sld [smem:$0x3FFB];
	_ =	sdelay $0x3  }
0x92: {  	_ =	strace s18  }
0x93: {  	s3 =	sld [smem:$0x3FFC];
	_ =	sdelay $0x3  }
0x94: {  	_ =	strace s3  }
0x95: {  	s3 =	sld [smem:$0x3FFD];
	_ =	sdelay $0x3  }
0x96: {  	_ =	strace s3  }
0x97: {  	_ =	strace $0x8FFFFFFF  }
0x98: {  	s19 =	sld [smem:$0x3FDB];
	_ =	sdelay $0x1  }
0x99: {  	s4 =	simm.s32 $_scs_section_size  }
0x9a: {  	s5 =	simm.s32 $_size__tile_overlayer_lowered;
	s6 =	simm.s32 $_tile_overlayer_lowered  }
0x9b: {  	s22 =	simm.s32 $0x1BFF;
	s21 =	sshll.u32 s6, $0x1;
	s3 =	sadd.s32 s4, s19  }
0x9c: {  	s7 =	simm.s32 $0x0;
	s20 =	sshll.u32 s5, $0x1;
	s5 =	sadd.s32 s21, s3  }
0x9d: {  	[timem:s7], [sflag:s22] =	dma.local [hbm:s5], s20  }
0x9e: {  	_ =	swait.ge [sflag:s22], s20  }
0x9f: {  	s4 =	ssub.s32 $0x0, s20;
	[sflag:s22] =	ssyncset.done $0x0  }
0xa0: {  	[sflag:s22] =	ssyncadd.s32 s4;
	_ =	sdelay $0x1  }
0xa1: {  	s23 =	simm.s32 $0x1B8B  }
0xa2: {  	_ =	swait.ge [sflag:s23], $0x1  }
0xa3: {  	[sflag:s23] =	ssyncset.done $0x0  }
0xa4: {  	s25 =	simm.s32 $0x1B8E;
	s24 =	sld [smem:$0x3FFE];
	[sflag:s23] =	ssyncadd.s32 $0xFFFFFFFF  }
0xa5: {  	s26 =	simm.s32 $execute0_lowered;
	[smem:$0x3FD2] =	sst s25  }
0xa6: {  	s5 =	sshll.u32 s26, $0x1;
	_ =	strace $0x8000004C;
	[dreg:$0x1] =	wrdreg $0xFFFFFFFF  }
0xa7: {  	s28 =	simm.s32 $_size_execute0_lowered;
	s3 =	sadd.s32 s3, s5;
	[dreg:$0x0] =	wrdreg $0x0  }
0xa8: {  	s5 =	sshll.u32 s28, $0x1;
	[dreg:$0x2] =	wrdreg s3  }
0xa9: {  	[dreg:$0x3] =	wrdreg s5  }
0xaa: {  	[dreg:$0x4] =	wrdreg $0xC0  }
0xab: {  	_ =	task [dreg:s7], $0x5FFFF  }
0xac: {  	[dreg:$0x1] =	wrdreg $0xFFFFFFFF  }
0xad: {  	[dreg:$0x0] =	wrdreg $0x60  }
0xae: {  	[dreg:$0x2] =	wrdreg s2  }
0xaf: {  	[dreg:$0x3] =	wrdreg s24  }
0xb0: {  	[dreg:$0x4] =	wrdreg $0x0  }
0xb1: {  	[dreg:$0x5] =	wrdreg $0x9  }
0xb2: {  	_ =	task.clear_ibuf [dreg:s7], $0x6FFFF;
	_ =	strace $0x9000004C  }
0xb3: {  	s29 =	simm.s32 $0x9;
	_ =	strace $0x8000004E  }
0xb4: {  	_ =	swait.ge [sflag:s29], $0x1  }
0xb5: {  	[sflag:s29] =	ssyncadd.s32 $0xFFFFFFFF  }
0xb6: {  	_ =	strace $0x9000004E  }
0xb7: {  	_ =	sfence  }
0xb8: {  	s30 =	sld [smem:$0x0];
	_ =	sdelay $0x2  }
0xb9: {  	s31 =	sshll.u32 s1, $0xD;
	s1 =	sshrl.u32 s1, $0x2  }
0xba: {  	s3 =	sand.u32 $0x4000, s31;
	s1 =	sadd.s32 s1, s30  }
0xbb: {  	s0 =	sor.u32 s3, s0;
	s1 =	sshll.u32 s1, $0x11  }
0xbc: {  	s0 =	sor.u32 s1, s0  }
0xbd: {  	s0 =	sadd.s32 $0x8F2B, s0  }
0xbe: {  	[sflag:s0] =	ssyncadd.remote.s32 $0x1  }
0xbf: {  	_ =	sfence.sel $0xFFFF  }
0xc0: {  	[dreg:$0x0] =	wrdreg $0xFFFFFFFF;
	(pc) =	sbr.abs _section_cstart, $3  }
0xc1: {  	[dreg:$0x1] =	wrdreg $0xFFFFFFFF  }
0xc2: {  	_ =	task.clear_ibuf [dreg:s7], $0x2FFFF;
	_ =	strace $0x9FFFFFFF  }
0xc3: {  	(tm) =	ssettm $0x7FFFFFFF  }
tec
execute0_lowered:
.L_overlay_start_1:
0x0: {  	(tag) =	ssettag $0x1  }
0x1: {  	s0 =	rddreg [dreg:$0x0]  }
0x2: {  	s1 =	rddreg [dreg:$0x1]  }
0x3: {  	s2 =	srdreg.scid;
	s3 =	rddreg [dreg:$0x2]  }
0x4: {  	s11 =	stileid.u32;
	s4 =	simm.s32 $0x0;
	s28 =	simm.s32 $0x4  }
0x5: {  	s29 =	simm.s32 $0x19100;
	s30 =	simm.s32 $0x14000;
	s6 =	smul.u32 $0x14000, s11  }
0x6: {  	s31 =	simm.s32 $0x50;
	s2 =	sand.u32 $0x1, s2;
	s8 =	smul.u32 $0x50000, s11  }
0x7: {  	[smem:$0x7FF] =	sst s4;
	s10 =	sshll.u32 s11, $0x1;
	s5 =	smul.u32 $0x140000, s2  }
0x8: {  	s17 =	smul.u32 $0x4E20, s11;
	s11 =	simm.s32 $0x2;
	_ =	strace $0x8000004D  }
0x9: {  	s25 =	ssub.s32 $0x2, s2;
	s10 =	sor.u32 s2, s10;
	s6 =	sadd.s32 s6, s5  }
0xa: {  	s8 =	sshrl.u32 s8, $0x2;
	s5 =	sadd.s32 $0x3600, s1;
	s7 =	sshrl.u32 s6, $0x3  }
0xb: {  	s6 =	sadd.s32 $0xD400, s1;
	s1 =	sadd.s32 s7, s1;
	s7 =	sadd.s32 s8, s3  }
0xc: {  	s2 =	smul.u32 $0x2710, s2;
	s9 =	sshrl.u32 s25, $0x1;
	s8 =	sadd.s32 $0x2800, s7  }
0xd: {  	s12 =	smul.u32 $0x2710, s10;
	s26 =	sadd.s32 $0x5000, s7;
	[dreg:$0x4] =	wrdreg s8  }
0xe: {  	s10 =	simm.s32 $0x1;
	s13 =	sadd.s32 $0x7800, s7;
	[dreg:$0x5] =	wrdreg s26  }
0xf: {  	s9 =	ssub.s32 s25, s9;
	s14 =	sadd.s32 $0xA000, s7;
	[dreg:$0x6] =	wrdreg s13  }
0x10: {  	s23 =	sadd.s32 s2, s17;
	s15 =	sadd.s32 $0xC800, s7;
	[dreg:$0x7] =	wrdreg s14  }
0x11: {  	s2 =	simm.s32 $0x14080;
	s16 =	sadd.s32 $0xF000, s7;
	[dreg:$0x8] =	wrdreg s15  }
0x12: {  	s25 =	sadd.s32 $0xF0, s23;
	s19 =	sadd.s32 $0x11800, s7;
	[dreg:$0x9] =	wrdreg s16  }
0x13: {  	s23 =	sadd.s32 $0xA0, s23;
	s8 =	sshrl.u32 s12, $0x3;
	[dreg:$0xa] =	wrdreg s19  }
0x14: {  	s19 =	sadd.s32 $0x3E400, s1;
	s26 =	sshrl.u32 s25, $0x3;
	s1 =	simm.s32 $0x19180  }
0x15: {  	s20 =	sadd.s32 $0xA, s8;
	s12 =	sadd.s32 s5, s8;
	s21 =	sadd.s32 s6, s8  }
0x16: {  	s24 =	sadd.s32 $0x4D8, s8;
	s25 =	sadd.s32 s26, s5;
	[dreg:$0xb] =	wrdreg s12  }
0x17: {  	s8 =	simm.s32 $0x3;
	[dreg:$0xc] =	wrdreg s21;
	s22 =	sadd.s32 s5, s20  }
0x18: {  	s18 =	sadd.s32 s6, s20;
	s20 =	smax.u32 s9, $0x1;
	s21 =	sadd.s32 s5, s24  }
0x19: {  	s9 =	simm.s32 $0x16900;
	s12 =	simm.s32 $0x0;
	[dreg:$0xd] =	wrdreg s22  }
0x1a: {  	v0 =	vimm.f32 $0.0e+00;
	s22 =	sadd.s32 s6, s24;
	s24 =	sadd.s32 s26, s6;
	s26 =	simm.s32 $0x14100  }
.LBB2_1:
0x1b: {  	s13 =	simm.s32 $0x0  }
0x1c: {  	s14 =	sand.u32 $0xFFFFFF80, s13  }
0x1d: {  	s14 =	ssub.s32 $0x0, s14  }
0x1e: {  	s13 =	sand.u32 $0x3FFFFF80, s13;
	s14 =	sand.u32 $0xFFFFFF80, s14  }
0x1f: {  	s15 =	sand.u32 $0x70, s4;
	s14 =	sadd.s32 s14, s13  }
0x20: {  	s13 =	simm.s32 $0x1;
	s15 =	sor.u32 s15, s14;
	s14 =	simm.s32 $0x0  }
.LBB2_2:
0x21: {  	s16 =	sshll.u32 s13, $0x4;
	p0 =	sne.s32 s13, $0x27F;
	s13 =	sadd.s32 $0x1, s13;
	[tilespmem:s15+$0x14100] =	vst v0  }
.Ltmp0:
0x22: {  	s14 =	sadd.s32 $0x10, s14;
	s15 =	sand.u32 $0xFFFFFF80, s16;
	(pc) =	sbr.rel @p0 .LBB2_2-.Ltmp0, $4  }
0x23: {  	s15 =	ssub.s32 s14, s15  }
0x24: {  	s16 =	sand.u32 $0x3FFFFF80, s16;
	s15 =	sand.u32 $0xFFFFFF80, s15  }
0x25: {  	s17 =	sand.u32 $0x70, s14;
	s15 =	sadd.s32 s15, s16  }
0x26: {  	s15 =	sor.u32 s17, s15  }
0x27: {  	[tilespmem:s15+$0x14100] =	vst v0  }
0x28: {  	[spmem:s7] =	stream.linear.scatter [tilespmem:s26], [sflag:$0x4], $0x2800, $0x38;
	[tilespmem:$0x19200] =	vst v63  }
0x29: {  	_ =	swait.ge [sflag:s28], $0x2800  }
0x2a: {  	[sflag:s28] =	ssyncset.done $0x0  }
0x2b: {  	s13 =	rddreg [dreg:$0x4];
	[sflag:s28] =	ssyncadd.s32 $0xFFFFD800  }
0x2c: {  	[spmem:s13] =	stream.linear.scatter [tilespmem:s26], [sflag:$0x4], $0x2800, $0x38;
	[tilespmem:$0x19200] =	vst v63  }
0x2d: {  	_ =	swait.ge [sflag:s28], $0x2800  }
0x2e: {  	[sflag:s28] =	ssyncset.done $0x0  }
0x2f: {  	s17 =	rddreg [dreg:$0x5];
	[sflag:s28] =	ssyncadd.s32 $0xFFFFD800  }
0x30: {  	[spmem:s17] =	stream.linear.scatter [tilespmem:s26], [sflag:$0x4], $0x2800, $0x38;
	[tilespmem:$0x19200] =	vst v63  }
0x31: {  	_ =	swait.ge [sflag:s28], $0x2800  }
0x32: {  	[sflag:s28] =	ssyncset.done $0x0  }
0x33: {  	s14 =	rddreg [dreg:$0x6];
	[sflag:s28] =	ssyncadd.s32 $0xFFFFD800  }
0x34: {  	[spmem:s14] =	stream.linear.scatter [tilespmem:s26], [sflag:$0x4], $0x2800, $0x38;
	[tilespmem:$0x19200] =	vst v63  }
0x35: {  	_ =	swait.ge [sflag:s28], $0x2800  }
0x36: {  	[sflag:s28] =	ssyncset.done $0x0  }
0x37: {  	s15 =	rddreg [dreg:$0x7];
	[sflag:s28] =	ssyncadd.s32 $0xFFFFD800  }
0x38: {  	[spmem:s15] =	stream.linear.scatter [tilespmem:s26], [sflag:$0x4], $0x2800, $0x38;
	[tilespmem:$0x19200] =	vst v63  }
0x39: {  	_ =	swait.ge [sflag:s28], $0x2800  }
0x3a: {  	[sflag:s28] =	ssyncset.done $0x0  }
0x3b: {  	s16 =	rddreg [dreg:$0x8];
	[sflag:s28] =	ssyncadd.s32 $0xFFFFD800  }
0x3c: {  	[spmem:s16] =	stream.linear.scatter [tilespmem:s26], [sflag:$0x4], $0x2800, $0x38;
	[tilespmem:$0x19200] =	vst v63  }
0x3d: {  	_ =	swait.ge [sflag:s28], $0x2800  }
0x3e: {  	[sflag:s28] =	ssyncset.done $0x0  }
0x3f: {  	s17 =	rddreg [dreg:$0x9];
	[sflag:s28] =	ssyncadd.s32 $0xFFFFD800  }
0x40: {  	[spmem:s17] =	stream.linear.scatter [tilespmem:s26], [sflag:$0x4], $0x2800, $0x38;
	[tilespmem:$0x19200] =	vst v63  }
0x41: {  	_ =	swait.ge [sflag:s28], $0x2800  }
0x42: {  	[sflag:s28] =	ssyncset.done $0x0  }
0x43: {  	s14 =	rddreg [dreg:$0xa];
	[sflag:s28] =	ssyncadd.s32 $0xFFFFD800  }
0x44: {  	[spmem:s14] =	stream.linear.scatter [tilespmem:s26], [sflag:$0x4], $0x2800, $0x38;
	[tilespmem:$0x19200] =	vst v63  }
0x45: {  	_ =	swait.ge [sflag:s28], $0x2800  }
0x46: {  	[sflag:s28] =	ssyncset.done $0x0  }
0x47: {  	s15 =	simm.s32 $0x0;
	s14 =	rddreg [dreg:$0xb];
	[sflag:s28] =	ssyncadd.s32 $0xFFFFD800  }
0x48: {  	[tilespmem:s29], [sflag:$0x4] =	stream.linear.gather [hbm4b:s14+s15], $0x50, $0x38;
	[tilespmem:$0x19200] =	vst v63  }
0x49: {  	_ =	swait.ge [sflag:s28], $0x50  }
0x4a: {  	[sflag:s28] =	ssyncset.done $0x0  }
0x4b: {  	s16 =	rddreg [dreg:$0xc];
	[sflag:s28] =	ssyncadd.s32 $0xFFFFFFB0  }
0x4c: {  	[tilespmem:s30], [sflag:$0x4] =	stream.linear.gather [hbm4b:s16+s15], $0x50, $0x38;
	[tilespmem:$0x19200] =	vst v63  }
0x4d: {  	_ =	swait.ge [sflag:s28], $0x50  }
0x4e: {  	[sflag:s28] =	ssyncset.done $0x0  }
0x4f: {  	[sflag:s28] =	ssyncadd.s32 $0xFFFFFFB0  }
0x50: {  	[bflag:$0x0] =	sbarrier.arrive $0xFFFF  }
0x51: {  	[tilespmem:s26], [sflag:$0x1] =	stream.indirect.gather [hbm4b:s0+s31], $0x80, s29, s31, $0xb8;
	[tilespmem:$0x19200] =	vst v63  }
0x52: {  	s17 =	rddreg [dreg:$0xd]  }
0x53: {  	[tilespmem:s1], [sflag:$0x3] =	stream.linear.gather [hbm4b:s17+s15], $0x50, $0x38;
	[tilespmem:$0x19200] =	vst v63  }
0x54: {  	_ = 	snop  }
0x55: {  	[tilespmem:s2], [sflag:$0x3] =	stream.linear.gather [hbm4b:s18+s15], $0x50, $0x38;
	[tilespmem:$0x19200] =	vst v63  }
0x56: {  	_ =	swait.ge [sflag:s8], $0x50  }
0x57: {  	[sflag:s8] =	ssyncset.done $0x0  }
0x58: {  	[sflag:s8] =	ssyncadd.s32 $0xFFFFFFB0  }
0x59: {  	_ =	swait.ge [sflag:s8], $0x50  }
0x5a: {  	[sflag:s8] =	ssyncset.done $0x0  }
0x5b: {  	[sflag:s8] =	ssyncadd.s32 $0xFFFFFFB0  }
0x5c: {  	[tilespmem:s9], [sflag:$0x2] =	stream.indirect.gather [hbm4b:s0+s31], $0x80, s1, s31, $0xb8;
	[tilespmem:$0x19200] =	vst v63  }
0x5d: {  	_ =	swait.ge [sflag:s10], $0x2800  }
0x5e: {  	[sflag:s10] =	ssyncset.done $0x0  }
0x5f: {  	[sflag:s10] =	ssyncadd.s32 $0xFFFFD800  }
0x60: {  	[spmem:s3] =	stream.indirect.scatter.add.f32 [tilespmem:s26], [sflag:$0x4], $0x80, s30, s31, $0xb8;
	[tilespmem:$0x19200] =	vst v63  }
0x61: {  	_ =	swait.ge [sflag:s28], $0x2800  }
0x62: {  	s15 =	sshrl.u32 s23, $0x3;
	[sflag:s28] =	ssyncset.done $0x0  }
0x63: {  	s16 =	sadd.s32 s5, s15;
	[sflag:s28] =	ssyncadd.s32 $0xFFFFD800  }
0x64: {  	[tilespmem:s29], [sflag:$0x3] =	stream.linear.gather [hbm4b:s16+s4], $0x50, $0x38;
	[tilespmem:$0x19200] =	vst v63  }
0x65: {  	s13 =	sadd.s32 s6, s15  }
0x66: {  	[tilespmem:s30], [sflag:$0x3] =	stream.linear.gather [hbm4b:s13+s4], $0x50, $0x38;
	[tilespmem:$0x19200] =	vst v63  }
0x67: {  	_ =	swait.ge [sflag:s8], $0x50  }
0x68: {  	[sflag:s8] =	ssyncset.done $0x0  }
0x69: {  	[sflag:s8] =	ssyncadd.s32 $0xFFFFFFB0  }
0x6a: {  	_ =	swait.ge [sflag:s8], $0x50  }
0x6b: {  	[sflag:s8] =	ssyncset.done $0x0  }
0x6c: {  	[sflag:s8] =	ssyncadd.s32 $0xFFFFFFB0  }
0x6d: {  	[tilespmem:s26], [sflag:$0x1] =	stream.indirect.gather [hbm4b:s0+s31], $0x80, s29, s31, $0xb8;
	[tilespmem:$0x19200] =	vst v63  }
0x6e: {  	_ =	swait.ge [sflag:s11], $0x2800  }
0x6f: {  	[sflag:s11] =	ssyncset.done $0x0  }
0x70: {  	[sflag:s11] =	ssyncadd.s32 $0xFFFFD800  }
0x71: {  	[spmem:s3] =	stream.indirect.scatter.add.f32 [tilespmem:s9], [sflag:$0x4], $0x80, s2, s31, $0xb8;
	[tilespmem:$0x19200] =	vst v63  }
0x72: {  	_ =	swait.ge [sflag:s28], $0x2800  }
0x73: {  	s14 =	sadd.s32 $0xA0, s23;
	s17 =	sadd.s32 $0x0, s25;
	[sflag:s28] =	ssyncset.done $0x0  }
0x74: {  	s15 =	sadd.s32 $0x0, s24;
	s13 =	simm.s32 $0x14;
	[sflag:s28] =	ssyncadd.s32 $0xFFFFD800  }
0x75: {  	[tilespmem:s1], [sflag:$0x3] =	stream.linear.gather [hbm4b:s17+s4], $0x50, $0x38;
	[tilespmem:$0x19200] =	vst v63  }
.LBB2_4:
0x76: {  	[tilespmem:s2], [sflag:$0x3] =	stream.linear.gather [hbm4b:s15+s4], $0x50, $0x38;
	[tilespmem:$0x19200] =	vst v63  }
0x77: {  	s15 =	smov.u32 s13  }
0x78: {  	p0 =	sne.s32 s13, $0x4B0;
	s13 =	sadd.s32 $0x14, s13;
	_ =	swait.ge [sflag:s8], $0x50  }
0x79: {  	[sflag:s8] =	ssyncset.done $0x0  }
0x7a: {  	[sflag:s8] =	ssyncadd.s32 $0xFFFFFFB0  }
0x7b: {  	_ =	swait.ge [sflag:s8], $0x50  }
0x7c: {  	[sflag:s8] =	ssyncset.done $0x0  }
0x7d: {  	[sflag:s8] =	ssyncadd.s32 $0xFFFFFFB0  }
0x7e: {  	[tilespmem:s9], [sflag:$0x2] =	stream.indirect.gather [hbm4b:s0+s31], $0x80, s1, s31, $0xb8;
	[tilespmem:$0x19200] =	vst v63  }
0x7f: {  	_ =	swait.ge [sflag:s10], $0x2800  }
0x80: {  	[sflag:s10] =	ssyncset.done $0x0  }
0x81: {  	[sflag:s10] =	ssyncadd.s32 $0xFFFFD800  }
0x82: {  	[spmem:s3] =	stream.indirect.scatter.add.f32 [tilespmem:s26], [sflag:$0x4], $0x80, s30, s31, $0xb8;
	[tilespmem:$0x19200] =	vst v63  }
0x83: {  	_ =	swait.ge [sflag:s28], $0x2800  }
0x84: {  	s16 =	sshrl.u32 s14, $0x3;
	[sflag:s28] =	ssyncset.done $0x0  }
0x85: {  	s17 =	sadd.s32 s5, s16;
	[sflag:s28] =	ssyncadd.s32 $0xFFFFD800  }
0x86: {  	[tilespmem:s29], [sflag:$0x3] =	stream.linear.gather [hbm4b:s17+s4], $0x50, $0x38;
	[tilespmem:$0x19200] =	vst v63  }
0x87: {  	s16 =	sadd.s32 s6, s16  }
0x88: {  	[tilespmem:s30], [sflag:$0x3] =	stream.linear.gather [hbm4b:s16+s4], $0x50, $0x38;
	[tilespmem:$0x19200] =	vst v63  }
0x89: {  	_ =	swait.ge [sflag:s8], $0x50  }
0x8a: {  	[sflag:s8] =	ssyncset.done $0x0  }
0x8b: {  	[sflag:s8] =	ssyncadd.s32 $0xFFFFFFB0  }
0x8c: {  	_ =	swait.ge [sflag:s8], $0x50  }
0x8d: {  	[sflag:s8] =	ssyncset.done $0x0  }
0x8e: {  	[sflag:s8] =	ssyncadd.s32 $0xFFFFFFB0  }
0x8f: {  	[tilespmem:s26], [sflag:$0x1] =	stream.indirect.gather [hbm4b:s0+s31], $0x80, s29, s31, $0xb8;
	[tilespmem:$0x19200] =	vst v63  }
0x90: {  	_ =	swait.ge [sflag:s11], $0x2800  }
0x91: {  	[sflag:s11] =	ssyncset.done $0x0  }
0x92: {  	[sflag:s11] =	ssyncadd.s32 $0xFFFFD800  }
0x93: {  	[spmem:s3] =	stream.indirect.scatter.add.f32 [tilespmem:s9], [sflag:$0x4], $0x80, s2, s31, $0xb8;
	[tilespmem:$0x19200] =	vst v63  }
.Ltmp1:
0x94: {  	_ =	swait.ge [sflag:s28], $0x2800;
	(pc) =	sbr.rel @p0 .LBB2_4-.Ltmp1, $4  }
0x95: {  	[sflag:s28] =	ssyncset.done $0x0  }
0x96: {  	s16 =	sadd.s32 s15, s25;
	[sflag:s28] =	ssyncadd.s32 $0xFFFFD800  }
0x97: {  	[tilespmem:s1], [sflag:$0x3] =	stream.linear.gather [hbm4b:s16+s4], $0x50, $0x38;
	[tilespmem:$0x19200] =	vst v63  }
0x98: {  	s14 =	sadd.s32 $0xA0, s14;
	s15 =	sadd.s32 s15, s24  }
0x99: {  	[tilespmem:s2], [sflag:$0x3] =	stream.linear.gather [hbm4b:s15+s4], $0x50, $0x38;
	[tilespmem:$0x19200] =	vst v63  }
0x9a: {  	_ =	swait.ge [sflag:s8], $0x50  }
0x9b: {  	[sflag:s8] =	ssyncset.done $0x0  }
0x9c: {  	[sflag:s8] =	ssyncadd.s32 $0xFFFFFFB0  }
0x9d: {  	_ =	swait.ge [sflag:s8], $0x50  }
0x9e: {  	[sflag:s8] =	ssyncset.done $0x0  }
0x9f: {  	[sflag:s8] =	ssyncadd.s32 $0xFFFFFFB0  }
0xa0: {  	[tilespmem:s9], [sflag:$0x2] =	stream.indirect.gather [hbm4b:s0+s31], $0x80, s1, s31, $0xb8;
	[tilespmem:$0x19200] =	vst v63  }
0xa1: {  	_ =	swait.ge [sflag:s10], $0x2800  }
0xa2: {  	[sflag:s10] =	ssyncset.done $0x0  }
0xa3: {  	[sflag:s10] =	ssyncadd.s32 $0xFFFFD800  }
0xa4: {  	[spmem:s3] =	stream.indirect.scatter.add.f32 [tilespmem:s26], [sflag:$0x4], $0x80, s30, s31, $0xb8;
	[tilespmem:$0x19200] =	vst v63  }
0xa5: {  	_ =	swait.ge [sflag:s28], $0x2800  }
0xa6: {  	[sflag:s28] =	ssyncset.done $0x0  }
0xa7: {  	[sflag:s28] =	ssyncadd.s32 $0xFFFFD800  }
0xa8: {  	[tilespmem:s29], [sflag:$0x3] =	stream.linear.gather [hbm4b:s21+s4], $0x50, $0x38;
	[tilespmem:$0x19200] =	vst v63  }
0xa9: {  	_ = 	snop  }
0xaa: {  	[tilespmem:s30], [sflag:$0x3] =	stream.linear.gather [hbm4b:s22+s4], $0x50, $0x38;
	[tilespmem:$0x19200] =	vst v63  }
0xab: {  	_ =	swait.ge [sflag:s8], $0x50  }
0xac: {  	[sflag:s8] =	ssyncset.done $0x0  }
0xad: {  	[sflag:s8] =	ssyncadd.s32 $0xFFFFFFB0  }
0xae: {  	_ =	swait.ge [sflag:s8], $0x50  }
0xaf: {  	[sflag:s8] =	ssyncset.done $0x0  }
0xb0: {  	[sflag:s8] =	ssyncadd.s32 $0xFFFFFFB0  }
0xb1: {  	[tilespmem:s26], [sflag:$0x1] =	stream.indirect.gather [hbm4b:s0+s31], $0x80, s29, s31, $0xb8;
	[tilespmem:$0x19200] =	vst v63  }
0xb2: {  	_ =	swait.ge [sflag:s11], $0x2800  }
0xb3: {  	[sflag:s11] =	ssyncset.done $0x0  }
0xb4: {  	[sflag:s11] =	ssyncadd.s32 $0xFFFFD800  }
0xb5: {  	[spmem:s3] =	stream.indirect.scatter.add.f32 [tilespmem:s9], [sflag:$0x4], $0x80, s2, s31, $0xb8;
	[tilespmem:$0x19200] =	vst v63  }
0xb6: {  	_ =	swait.ge [sflag:s28], $0x2800  }
0xb7: {  	[sflag:s28] =	ssyncset.done $0x0  }
0xb8: {  	[sflag:s28] =	ssyncadd.s32 $0xFFFFD800  }
0xb9: {  	[tilespmem:s1], [sflag:$0x3] =	stream.linear.gather [hbm4b:s21+s4], $0x50, $0x38;
	[tilespmem:$0x19200] =	vst v63  }
0xba: {  	_ = 	snop  }
0xbb: {  	[tilespmem:s2], [sflag:$0x3] =	stream.linear.gather [hbm4b:s22+s4], $0x50, $0x38;
	[tilespmem:$0x19200] =	vst v63  }
0xbc: {  	_ =	swait.ge [sflag:s10], $0x2800  }
0xbd: {  	[sflag:s10] =	ssyncset.done $0x0  }
0xbe: {  	[sflag:s10] =	ssyncadd.s32 $0xFFFFD800  }
0xbf: {  	[spmem:s3] =	stream.indirect.scatter.add.f32 [tilespmem:s26], [sflag:$0x4], $0x80, s30, s31, $0xb8;
	[tilespmem:$0x19200] =	vst v63  }
0xc0: {  	_ =	swait.ge [sflag:s28], $0x2800  }
0xc1: {  	[sflag:s28] =	ssyncset.done $0x0  }
0xc2: {  	[sflag:s28] =	ssyncadd.s32 $0xFFFFD800  }
0xc3: {  	_ =	swait.ge [sflag:s8], $0x50  }
0xc4: {  	[sflag:s8] =	ssyncset.done $0x0  }
0xc5: {  	[sflag:s8] =	ssyncadd.s32 $0xFFFFFFB0  }
0xc6: {  	s13 =	stileid.u32;
	_ =	swait.ge [sflag:s8], $0x50  }
0xc7: {  	s14 =	sshrl.u32 s7, $0x3;
	s12 =	sadd.s32 $0x1, s12;
	[sflag:s8] =	ssyncset.done $0x0  }
0xc8: {  	s13 =	sshll.u32 s13, $0x6;
	p0 =	sne.s32 s12, s20;
	[sflag:s8] =	ssyncadd.s32 $0xFFFFFFB0  }
.Ltmp2:
0xc9: {  	s13 =	sor.u32 $0x1C04, s13;
	[bflag:$0x0] =	sbarrier.arrive $0xFFFF;
	(pc) =	sbr.rel @p0 .LBB2_1-.Ltmp2, $4  }
0xca: {  	[hbm:s19], [sflag:s13] =	dma.local [spmem:s14], $0x2800  }
0xcb: {  	_ =	swait.ge [sflag:s28], $0x2800  }
0xcc: {  	[sflag:s28] =	ssyncset.done $0x0  }
0xcd: {  	[sflag:s28] =	ssyncadd.s32 $0xFFFFD800  }
0xce: {  	_ =	sfence.sel $0x180000  }
0xcf: {  	[bflag:$0x0] =	sbarrier.arrive $0xFFFF  }
0xd0: {  	_ =	strace $0x9000004D  }
0xd1: {  	s0 =	stileid.u32;
	[bflag:$0x2] =	sbarrier.arrive $0xFFFF  }
0xd2: {  	p0 =	sne.s32 s0, $0x0;
	s0 =	rddreg [dreg:$0x3]  }
0xd3: {  	s0 =	sadd.s32 @!p0 $0x100000, s0  }
0xd4: {  	[sflag:s0] =	ssyncadd.tile.s32 @!p0 $0x1;
	_ =	shalt  }
.Lfunc_end2:
_tile_overlayer_lowered:
.L_overlay_start_2:
0xd5: {  	(tag) =	ssettag $0x2  }
0xd6: {  	s0 =	rddreg [dreg:$0x0];
	s2 =	stileid.u32  }
0xd7: {  	s1 =	rddreg [dreg:$0x1];
	p0 =	sne.s32 s2, $0x0  }
0xd8: {  	s3 =	rddreg [dreg:$0x2];
	[bflag:$0x3] =	sbarrier.arrive $0xFFFF;
	s2 =	simm.s32 @!p0 $0x1C04  }
0xd9: {  	[timem:s3], [sflag:s2] =	dma.local @!p0 [hbm:s0], s1  }
0xda: {  	s0 =	simm.s32 @!p0 $0x4  }
0xdb: {  	_ =	swait.ge @!p0 [sflag:s0], s1  }
0xdc: {  	s1 =	ssub.s32 @!p0 $0x0, s1;
	[sflag:s0] =	ssyncset.done @!p0 $0x0  }
0xdd: {  	[sflag:s0] =	ssyncadd.s32 @!p0 s1  }
0xde: {  	[bflag:$0x3] =	sbarrier.arrive $0xFFFF  }
0xdf: {  	_ =	shalt  }

// kernel: kernel.8.cloned.1.call-start
scs
__scs_entry_jumppad:
0x0: {  	(pc) =	sbr.rel $0x88, $3  }
0x1: {  	(tag) =	ssettag $0x0;
	lr =	simm.s32 $0x1  }
0x2: {  	[smem:$0x3F9B] =	sst lr;
	_ =	strace $0xD0000000  }
0x3: {  	_ = 	snop  }
0x4: {  	_ = 	snop  }
0x5: {  	_ = 	snop  }
0x6: {  	_ = 	snop  }
0x7: {  	_ = 	snop  }
__scs_overlays_trampoline_lowered:
0x8: {  	[smem:$0x3FAA] =	sst s0  }
0x9: {  	[smem:$0x3FAB] =	sst s1  }
0xa: {  	[smem:$0x3FAC] =	sst s2  }
0xb: {  	[smem:$0x3FAD] =	sst s3  }
0xc: {  	[smem:$0x3FAE] =	sst s4  }
0xd: {  	[smem:$0x3FAF] =	sst s5  }
0xe: {  	[smem:$0x3FB0] =	sst s6  }
0xf: {  	[smem:$0x3FB1] =	sst s7  }
0x10: {  	[smem:$0x3FB2] =	sst s8  }
0x11: {  	[smem:$0x3FB3] =	sst s9;
	s0 =	simm.s32 @!p0 $0x0  }
0x12: {  	s1 =	sld [smem:$0x3F99];
	s0 =	simm.s32 @p0 $0x1  }
0x13: {  	[smem:$0x3FB4] =	sst s0;
	s0 =	simm.s32 @!p1 $0x0  }
0x14: {  	s2 =	sld [smem:$0x3F98];
	s0 =	simm.s32 @p1 $0x1  }
0x15: {  	[smem:$0x3FB5] =	sst s0;
	s0 =	simm.s32 @!p2 $0x0  }
0x16: {  	s3 =	sld [smem:$0x3FDB];
	s0 =	simm.s32 @p2 $0x1  }
0x17: {  	s4 =	simm.s32 $0x1BF5;
	[smem:$0x3FB7] =	sst s0  }
0x18: {  	s0 =	sld [smem:$0x3F9A];
	_ =	swait.ge [sflag:s4], $0x0  }
0x19: {  	s7 =	sld [smem:$0x3F9B]  }
0x1a: {  	s8 =	sadd.s32 $0xFFFFE003, lr  }
0x1b: {  	s9 =	sadd.s32 $0xFFFFFEF7, lr;
	s5 =	simm.s32 $0xFFFFFFFF;
	p2 =	slt.u32 s8, $0xFFFFF086  }
0x1c: {  	p1 =	slt.u32 s9, $0xF7A;
	s5 =	simm.s32 @!p2 $0x0  }
0x1d: {  	s5 =	simm.s32 @p1 $0x1;
	p0 =	seq.s32 s7, s2  }
0x1e: {  	s7 =	smul.u32 @!p0 $0xF7A, s2;
	p2 =	seq.s32 @!p0 s5, $0x0  }
0x1f: {  	s9 =	smul.u32 $0xF7A, s1;
	s8 =	simm.s32 @!p0 $0x1BF5;
	p2 =	por !p2, p0  }
0x20: {  	[sflag:s8] =	ssyncset.s32 @!p0 $0xFFFFF086;
	s6 =	sadd.s32 @!p0 s3, s7;
	s7 =	simm.s32 @!p0 $0x108  }
0x21: {  	s3 =	sadd.s32 s3, s9;
	s6 =	sadd.s32 @!p0 $0x88, s6;
	s7 =	simm.s32 @p2 $0x1082  }
0x22: {  	[simem:s7], [sflag:s8] =	dma.local @!p0 [hbm:s6], $0xF7A  }
0x23: {  	s9 =	sor.u32 $0xD0000000, s2;
	s6 =	simm.s32 $0x108;
	_ =	swait.ge @!p0 [sflag:s8], $0x0  }
0x24: {  	s3 =	sadd.s32 $0x88, s3;
	s6 =	simm.s32 @!p1 $0x1082;
	[sflag:s4] =	ssyncset.s32 $0xFFFFF086  }
0x25: {  	[simem:s6], [sflag:s4] =	dma.local [hbm:s3], $0xF7A  }
0x26: {  	[smem:$0x3F9B] =	sst s1;
	(tag) =	ssettag s2;
	_ =	strace s9  }
0x27: {  	s1 =	sld [smem:$0x3FAB]  }
0x28: {  	s2 =	sld [smem:$0x3FAC]  }
0x29: {  	s4 =	sld [smem:$0x3FAE]  }
0x2a: {  	p0 =	seq.s32 s5, $0x0;
	s5 =	sld [smem:$0x3FAF]  }
0x2b: {  	s6 =	sld [smem:$0x3FB0]  }
0x2c: {  	s7 =	sld [smem:$0x3FB1]  }
0x2d: {  	s3 =	simm.s32 $0x108;
	s8 =	sld [smem:$0x3FB2]  }
0x2e: {  	s3 =	simm.s32 @!p0 $0x1082;
	s9 =	sld [smem:$0x3FB3]  }
0x2f: {  	lr =	sadd.s32 s0, s3;
	s0 =	sld [smem:$0x3FAA]  }
0x30: {  	s3 =	sld [smem:$0x3FAD]  }
0x31: {  	[smem:$0x3FB6] =	sst s10  }
0x32: {  	s10 =	sld [smem:$0x3FB4];
	_ =	sdelay $0x3  }
0x33: {  	p0 =	seq.s32 s10, $0x1;
	s10 =	sld [smem:$0x3FB6];
	_ =	sdelay $0x3  }
0x34: {  	[smem:$0x3FB6] =	sst s10  }
0x35: {  	s10 =	sld [smem:$0x3FB5];
	_ =	sdelay $0x3  }
0x36: {  	p1 =	seq.s32 s10, $0x1;
	s10 =	sld [smem:$0x3FB6];
	_ =	sdelay $0x3  }
0x37: {  	[smem:$0x3FB6] =	sst s10  }
0x38: {  	s10 =	sld [smem:$0x3FB7]  }
0x39: {  	_ = 	snop;
	(pc) =	sbr.ind lr, $3  }
0x3a: {  	_ = 	snop  }
0x3b: {  	_ = 	snop  }
0x3c: {  	p2 =	seq.s32 s10, $0x1;
	s10 =	sld [smem:$0x3FB6]  }
0x3d: {  	_ =	shalt  }
0x3e: {  	_ =	shalt  }
0x3f: {  	_ =	shalt  }
0x40: {  	_ =	shalt  }
0x41: {  	_ =	shalt  }
0x42: {  	_ =	shalt  }
0x43: {  	_ =	shalt  }
0x44: {  	_ =	shalt  }
0x45: {  	_ =	shalt  }
0x46: {  	_ =	shalt  }
0x47: {  	_ =	shalt  }
0x48: {  	_ =	shalt  }
0x49: {  	_ =	shalt  }
0x4a: {  	_ =	shalt  }
0x4b: {  	_ =	shalt  }
0x4c: {  	_ =	shalt  }
0x4d: {  	_ =	shalt  }
0x4e: {  	_ =	shalt  }
0x4f: {  	_ =	shalt  }
0x50: {  	_ =	shalt  }
0x51: {  	_ =	shalt  }
0x52: {  	_ =	shalt  }
0x53: {  	_ =	shalt  }
0x54: {  	_ =	shalt  }
0x55: {  	_ =	shalt  }
0x56: {  	_ =	shalt  }
0x57: {  	_ =	shalt  }
0x58: {  	_ =	shalt  }
0x59: {  	_ =	shalt  }
0x5a: {  	_ =	shalt  }
0x5b: {  	_ =	shalt  }
0x5c: {  	_ =	shalt  }
0x5d: {  	_ =	shalt  }
0x5e: {  	_ =	shalt  }
0x5f: {  	_ =	shalt  }
0x60: {  	_ =	shalt  }
0x61: {  	_ =	shalt  }
0x62: {  	_ =	shalt  }
0x63: {  	_ =	shalt  }
0x64: {  	_ =	shalt  }
0x65: {  	_ =	shalt  }
0x66: {  	_ =	shalt  }
0x67: {  	_ =	shalt  }
0x68: {  	_ =	shalt  }
0x69: {  	_ =	shalt  }
0x6a: {  	_ =	shalt  }
0x6b: {  	_ =	shalt  }
0x6c: {  	_ =	shalt  }
0x6d: {  	_ =	shalt  }
0x6e: {  	_ =	shalt  }
0x6f: {  	_ =	shalt  }
0x70: {  	_ =	shalt  }
0x71: {  	_ =	shalt  }
0x72: {  	_ =	shalt  }
0x73: {  	_ =	shalt  }
0x74: {  	_ =	shalt  }
0x75: {  	_ =	shalt  }
0x76: {  	_ =	shalt  }
0x77: {  	_ =	shalt  }
0x78: {  	_ =	shalt  }
0x79: {  	_ =	shalt  }
0x7a: {  	_ =	shalt  }
0x7b: {  	_ =	shalt  }
0x7c: {  	_ =	shalt  }
0x7d: {  	_ =	shalt  }
0x7e: {  	_ =	shalt  }
0x7f: {  	_ =	shalt  }
0x80: {  	_ =	shalt  }
0x81: {  	_ =	shalt  }
0x82: {  	_ =	shalt  }
0x83: {  	_ =	shalt  }
0x84: {  	_ =	shalt  }
0x85: {  	_ =	shalt  }
0x86: {  	_ =	shalt  }
0x87: {  	_ =	shalt  }
.Lfunc_end0:
.L_simem_size_0:
called_computation_lowered:
.L_overlay_start_0:
0x88: {  	s2 =	sld [smem:$0x3FD9]  }
0x89: {  	s3 =	sld [smem:$0x3FFE];
	_ =	sdelay $0x1  }
0x8a: {  	s1 =	srdreg.scid  }
0x8b: {  	s0 =	sand.u32 $0x1, s1  }
0x8c: {  	s17 =	sshll.u32 s0, $0xA;
	s2 =	sadd.s32 s3, s2  }
0x8d: {  	s2 =	sadd.s32 s2, s17  }
0x8e: {  	[smem:$0x3FC2] =	sst s2  }
0x8f: {  	_ = 	snop  }
0x90: {  	s2 =	sld [smem:$0x3FD0];
	(tm) =	ssettm $0x1  }
0x91: {  	s18 =	sld [smem:$0x3FFB];
	_ =	sdelay $0x3  }
0x92: {  	_ =	strace s18  }
0x93: {  	s3 =	sld [smem:$0x3FFC];
	_ =	sdelay $0x3  }
0x94: {  	_ =	strace s3  }
0x95: {  	s3 =	sld [smem:$0x3FFD];
	_ =	sdelay $0x3  }
0x96: {  	_ =	strace s3  }
0x97: {  	_ =	strace $0x8FFFFFFF  }
0x98: {  	s19 =	sld [smem:$0x3FDB];
	_ =	sdelay $0x1  }
0x99: {  	s4 =	simm.s32 $_scs_section_size  }
0x9a: {  	s5 =	simm.s32 $_size__tile_overlayer_lowered;
	s6 =	simm.s32 $_tile_overlayer_lowered  }
0x9b: {  	s22 =	simm.s32 $0x1BFF;
	s21 =	sshll.u32 s6, $0x1;
	s3 =	sadd.s32 s4, s19  }
0x9c: {  	s7 =	simm.s32 $0x0;
	s20 =	sshll.u32 s5, $0x1;
	s5 =	sadd.s32 s21, s3  }
0x9d: {  	[timem:s7], [sflag:s22] =	dma.local [hbm:s5], s20  }
0x9e: {  	_ =	swait.ge [sflag:s22], s20  }
0x9f: {  	s4 =	ssub.s32 $0x0, s20;
	[sflag:s22] =	ssyncset.done $0x0  }
0xa0: {  	[sflag:s22] =	ssyncadd.s32 s4;
	_ =	sdelay $0x1  }
0xa1: {  	s23 =	simm.s32 $0x1B8B  }
0xa2: {  	_ =	swait.ge [sflag:s23], $0x1  }
0xa3: {  	[sflag:s23] =	ssyncset.done $0x0  }
0xa4: {  	s25 =	simm.s32 $0x1B8E;
	s24 =	sld [smem:$0x3FFE];
	[sflag:s23] =	ssyncadd.s32 $0xFFFFFFFF  }
0xa5: {  	s26 =	simm.s32 $execute0_lowered;
	[smem:$0x3FD2] =	sst s25  }
0xa6: {  	s5 =	sshll.u32 s26, $0x1;
	_ =	strace $0x80000046;
	[dreg:$0x1] =	wrdreg $0xFFFFFFFF  }
0xa7: {  	s28 =	simm.s32 $_size_execute0_lowered;
	s3 =	sadd.s32 s3, s5;
	[dreg:$0x0] =	wrdreg $0x0  }
0xa8: {  	s5 =	sshll.u32 s28, $0x1;
	[dreg:$0x2] =	wrdreg s3  }
0xa9: {  	[dreg:$0x3] =	wrdreg s5  }
0xaa: {  	[dreg:$0x4] =	wrdreg $0xC0  }
0xab: {  	_ =	task [dreg:s7], $0x5FFFF  }
0xac: {  	[dreg:$0x1] =	wrdreg $0xFFFFFFFF  }
0xad: {  	[dreg:$0x0] =	wrdreg $0x60  }
0xae: {  	[dreg:$0x2] =	wrdreg s2  }
0xaf: {  	[dreg:$0x3] =	wrdreg s24  }
0xb0: {  	[dreg:$0x4] =	wrdreg $0x0  }
0xb1: {  	[dreg:$0x5] =	wrdreg $0x9  }
0xb2: {  	_ =	task.clear_ibuf [dreg:s7], $0x6FFFF;
	_ =	strace $0x90000046  }
0xb3: {  	s29 =	simm.s32 $0x9;
	_ =	strace $0x80000048  }
0xb4: {  	_ =	swait.ge [sflag:s29], $0x1  }
0xb5: {  	[sflag:s29] =	ssyncadd.s32 $0xFFFFFFFF  }
0xb6: {  	_ =	strace $0x90000048  }
0xb7: {  	_ =	sfence  }
0xb8: {  	s30 =	sld [smem:$0x0];
	_ =	sdelay $0x2  }
0xb9: {  	s31 =	sshll.u32 s1, $0xD;
	s1 =	sshrl.u32 s1, $0x2  }
0xba: {  	s3 =	sand.u32 $0x4000, s31;
	s1 =	sadd.s32 s1, s30  }
0xbb: {  	s0 =	sor.u32 s3, s0;
	s1 =	sshll.u32 s1, $0x11  }
0xbc: {  	s0 =	sor.u32 s1, s0  }
0xbd: {  	s0 =	sadd.s32 $0x8F2B, s0  }
0xbe: {  	[sflag:s0] =	ssyncadd.remote.s32 $0x1  }
0xbf: {  	_ =	sfence.sel $0xFFFF  }
0xc0: {  	[dreg:$0x0] =	wrdreg $0xFFFFFFFF;
	(pc) =	sbr.abs _section_cstart, $3  }
0xc1: {  	[dreg:$0x1] =	wrdreg $0xFFFFFFFF  }
0xc2: {  	_ =	task.clear_ibuf [dreg:s7], $0x2FFFF;
	_ =	strace $0x9FFFFFFF  }
0xc3: {  	(tm) =	ssettm $0x7FFFFFFF  }
tec
execute0_lowered:
.L_overlay_start_1:
0x0: {  	(tag) =	ssettag $0x1  }
0x1: {  	s4 =	rddreg [dreg:$0x0]  }
0x2: {  	s6 =	rddreg [dreg:$0x1]  }
0x3: {  	s0 =	srdreg.scid;
	s2 =	rddreg [dreg:$0x2];
	s3 =	simm.s32 $0x0  }
0x4: {  	s10 =	simm.s32 $0x2B00;
	s11 =	simm.s32 $0x80;
	s12 =	simm.s32 $0x2A80  }
0x5: {  	s15 =	simm.s32 $0x10;
	s16 =	simm.s32 $0x0;
	s5 =	sand.u32 $0x1, s0  }
0x6: {  	s0 =	stileid.u32;
	[smem:$0x7FF] =	sst s3;
	s1 =	sshll.u32 s5, $0x4  }
0x7: {  	s8 =	sshll.u32 s0, $0x7;
	s9 =	sshll.u32 s0, $0x1;
	s7 =	sor.u32 s0, s1  }
0x8: {  	s30 =	smul.u32 $0xA00, s0;
	s13 =	sshll.u32 s0, $0x6;
	s7 =	sshrl.u32 s7, $0x3  }
0x9: {  	s1 =	rddreg [dreg:$0x3];
	_ =	strace $0x80000047;
	s7 =	smul.u32 $0x1400, s7  }
0xa: {  	s8 =	sand.u32 $0x380, s8;
	s29 =	sor.u32 s5, s9;
	s5 =	ssub.s32 $0x2, s5  }
0xb: {  	s13 =	sor.u32 $0x1C01, s13;
	s7 =	sor.u32 s8, s7;
	s8 =	smul.u32 $0x500, s29  }
0xc: {  	s31 =	sshrl.u32 s5, $0x1;
	s9 =	sshrl.u32 s30, $0x2;
	s7 =	sshrl.u32 s7, $0x3  }
0xd: {  	s6 =	sadd.s32 s7, s6;
	s7 =	ssub.s32 s5, s31;
	s4 =	sadd.s32 s4, s8  }
0xe: {  	s5 =	sadd.s32 s9, s2;
	s8 =	simm.s32 $0x280;
	s9 =	simm.s32 $0x1  }
0xf: {  	v0 =	vimm.f32 $0.0e+00;
	v1 =	vimm.f32 $1.000000000e+00;
	s6 =	sadd.s32 $0x17200, s6;
	s7 =	smax.u32 s7, $0x1;
	s14 =	sshrl.u32 s5, $0x3  }
.LBB2_1:
0x10: {  	s17 =	simm.s32 $0x10;
	[tilespmem:s10+$0x0] =	vst v0;
	s19 =	sand.u32 $0x70, s3;
	s18 =	simm.s32 $0x2B00  }
.LBB2_2:
0x11: {  	p0 =	sne.s32 s17, $0x270  }
0x12: {  	[tilespmem:s19+$0x2A80] =	vst v1;
	s18 =	sadd.s32 $0x10, s18;
	s19 =	smov.u32 s17;
	s17 =	sadd.s32 $0x10, s17  }
.Ltmp0:
0x13: {  	(pc) =	sbr.rel @p0 .LBB2_2-.Ltmp0, $2  }
0x14: {  	_ =	sdelay $0x2  }
0x15: {  	s19 =	sand.u32 $0x70, s19;
	[tilespmem:s18+$0x0] =	vst v0  }
0x16: {  	[tilespmem:s19+$0x2A80] =	vst v1;
	s17 =	simm.s32 $0x0  }
0x17: {  	[tilespmem:s8], [sflag:$0x1] =	stream.linear.gather [hbm4b:s4+s17], $0x2800, $0x38;
	[tilespmem:$0x2D80] =	vst v63  }
0x18: {  	_ =	swait.ge [sflag:s9], $0x2800  }
0x19: {  	[sflag:s9] =	ssyncset.done $0x0  }
0x1a: {  	[sflag:s9] =	ssyncadd.s32 $0xFFFFD800  }
0x1b: {  	[spmem:s5] =	stream.linear.scatter [tilespmem:s10], [sflag:$0x1], $0x280, $0x38;
	[tilespmem:$0x2D80] =	vst v63  }
0x1c: {  	_ =	swait.ge [sflag:s9], $0x280  }
0x1d: {  	[sflag:s9] =	ssyncset.done $0x0  }
0x1e: {  	[sflag:s9] =	ssyncadd.s32 $0xFFFFFD80  }
0x1f: {  	s31 =	simm.s32 $0x280;
	[bflag:$0x0] =	sbarrier.arrive $0xFFFF  }
0x20: {  	[spmem:s2] =	stream.indirect.scatter.add.f32 [tilespmem:s12], [sflag:$0x1], $0x1, s31, s11, $0xb8;
	[tilespmem:$0x2D80] =	vst v63  }
0x21: {  	s17 =	simm.s32 $0x200;
	_ =	swait.ge [sflag:s9], $0x80  }
.LBB2_4:
0x22: {  	s18 =	sshra.s32 s17, $0x2;
	[sflag:s9] =	ssyncset.done $0x0;
	p0 =	sne.s32 s17, $0x9E00  }
.Ltmp1:
0x23: {  	s18 =	sadd.s32 $0x280, s18;
	[sflag:s9] =	ssyncadd.s32 $0xFFFFFF80;
	(pc) =	sbr.rel @p0 .LBB2_4-.Ltmp1, $3  }
0x24: {  	[spmem:s2] =	stream.indirect.scatter.add.f32 [tilespmem:s12], [sflag:$0x1], $0x1, s18, s11, $0xb8;
	[tilespmem:$0x2D80] =	vst v63  }
0x25: {  	s17 =	sadd.s32 $0x200, s17;
	_ =	sdelay $0x1  }
0x26: {  	_ =	swait.ge [sflag:s9], $0x80  }
0x27: {  	[sflag:s9] =	ssyncset.done $0x0;
	s16 =	sadd.s32 $0x1, s16  }
0x28: {  	[sflag:s9] =	ssyncadd.s32 $0xFFFFFF80;
	p0 =	sne.s32 s16, s7  }
.Ltmp2:
0x29: {  	[bflag:$0x0] =	sbarrier.arrive $0xFFFF;
	(pc) =	sbr.rel @p0 .LBB2_1-.Ltmp2, $4  }
0x2a: {  	[hbm:s6@s11], [sflag:s13] =	dma.strided [spmem:s14@s15], $0x50, s9, $0x10   }
0x2b: {  	_ =	swait.ge [sflag:s9], $0x50  }
0x2c: {  	[sflag:s9] =	ssyncset.done $0x0  }
0x2d: {  	[sflag:s9] =	ssyncadd.s32 $0xFFFFFFB0  }
0x2e: {  	_ =	sfence.sel $0x180000  }
0x2f: {  	[bflag:$0x0] =	sbarrier.arrive $0xFFFF  }
0x30: {  	p0 =	sne.s32 s0, $0x0;
	_ =	strace $0x90000047  }
0x31: {  	s0 =	sadd.s32 @!p0 $0x100000, s1;
	[bflag:$0x2] =	sbarrier.arrive $0xFFFF  }
0x32: {  	[sflag:s0] =	ssyncadd.tile.s32 @!p0 $0x1;
	_ =	shalt  }
.Lfunc_end2:
_tile_overlayer_lowered:
.L_overlay_start_2:
0x33: {  	(tag) =	ssettag $0x2  }
0x34: {  	s0 =	rddreg [dreg:$0x0];
	s2 =	stileid.u32  }
0x35: {  	s1 =	rddreg [dreg:$0x1];
	p0 =	sne.s32 s2, $0x0  }
0x36: {  	s3 =	rddreg [dreg:$0x2];
	[bflag:$0x3] =	sbarrier.arrive $0xFFFF;
	s2 =	simm.s32 @!p0 $0x1C01  }
0x37: {  	[timem:s3], [sflag:s2] =	dma.local @!p0 [hbm:s0], s1  }
0x38: {  	s0 =	simm.s32 @!p0 $0x1  }
0x39: {  	_ =	swait.ge @!p0 [sflag:s0], s1  }
0x3a: {  	s1 =	ssub.s32 @!p0 $0x0, s1;
	[sflag:s0] =	ssyncset.done @!p0 $0x0  }
0x3b: {  	[sflag:s0] =	ssyncadd.s32 @!p0 s1  }
0x3c: {  	[bflag:$0x3] =	sbarrier.arrive $0xFFFF  }
0x3d: {  	_ =	shalt  }

</sc_bundles>
